<compile_context>
chip_gen: v7x
topology: tpu7x:2x2x1
jax: 0.10.2.dev20260603
libtpu: 0.0.44.dev20260713+nightly
codegen_flags: <defaults>
</compile_context>

<pallas_src>
import functools

import jax
import jax.numpy as jnp
from jax import lax
from jax.experimental import pallas as pl
from jax.experimental.pallas import tpu as pltpu
from jax.experimental.pallas import tpu_sc as plsc

_NC = 2
_NS = 16
_NW = _NC * _NS
_NBUF = 4
_FD = 2


@functools.cache
def _build_gather(b_total: int, l_total: int, dim: int):
    rows_per_w = b_total // _NW
    c0 = min(l_total, 128)
    c1 = l_total - c0
    n_chunks = 2 * rows_per_w
    n_super = n_chunks // _NBUF
    sz = {0: c0, 1: c1}
    off = {0: 0, 1: c0}
    mesh = plsc.VectorSubcoreMesh(
        core_axis_name="c", subcore_axis_name="s",
        num_cores=_NC, num_subcores=_NS,
    )

    @functools.partial(
        pl.kernel,
        out_type=jax.ShapeDtypeStruct((b_total, l_total, dim), jnp.float32),
        mesh=mesh,
        scratch_types=[
            pltpu.VMEM((rows_per_w, l_total), jnp.int32),
            pltpu.VMEM((_NBUF, c0, dim), jnp.float32),
        ]
        + [pltpu.SemaphoreType.DMA] * (2 * _NBUF),
        compiler_params=pltpu.CompilerParams(use_tc_tiling_on_sc=False),
    )
    def gather(idx_hbm, table_hbm, out_hbm, idx_v, rows_v, *sems):
        gs = sems[:_NBUF]
        os_ = sems[_NBUF:]
        wid = lax.axis_index("s") * _NC + lax.axis_index("c")
        base = wid * rows_per_w

        pltpu.sync_copy(idx_hbm.at[pl.ds(base, rows_per_w)], idx_v)

        def fire(c, b):
            p = b % 2
            pltpu.async_copy(
                table_hbm.at[idx_v.at[c // 2, pl.ds(off[p], sz[p])]],
                rows_v.at[b, pl.ds(0, sz[p])], gs[b])

        def drain_gather(b):
            p = b % 2
            pltpu.make_async_copy(
                table_hbm.at[idx_v.at[0, pl.ds(off[p], sz[p])]],
                rows_v.at[b, pl.ds(0, sz[p])], gs[b]).wait()

        def out_start(c, b):
            p = b % 2
            pltpu.async_copy(
                rows_v.at[b, pl.ds(0, sz[p])],
                out_hbm.at[base + c // 2, pl.ds(off[p], sz[p])], os_[b])

        def out_wait(b):
            p = b % 2
            pltpu.make_async_copy(
                rows_v.at[b, pl.ds(0, sz[p])],
                out_hbm.at[0, pl.ds(off[p], sz[p])], os_[b]).wait()

        for cp in range(_FD):
            fire(cp, cp)

        def super_iter(s, carry):
            for b in range(_NBUF):
                g = s * _NBUF + b
                bw = (b + _FD) % _NBUF
                if b + _FD < _NBUF:
                    @pl.when(s >= 1)
                    def _():
                        out_wait(bw)
                        fire(g + _FD, bw)
                    @pl.when(s == 0)
                    def _():
                        fire(g + _FD, bw)
                else:
                    out_wait(bw)
                    @pl.when(s < n_super - 1)
                    def _():
                        fire(g + _FD, bw)
                drain_gather(b)
                out_start(g, b)
            return carry

        lax.fori_loop(0, n_super, super_iter, 0)

        for j in range(_NBUF - _FD):
            out_wait((_FD + j) % _NBUF)

    return gather


def kernel(item_seq, item_emb_weight):
    b, l = item_seq.shape
    dim = item_emb_weight.shape[1]
    idx = item_seq.astype(jnp.int32)
    return _build_gather(b, l, dim)(idx, item_emb_weight)

# --- scband reference (transcript-rebuilt; emitter-appended) ---
"""Pipeline reference for scband-sequence-base-model-30751965840087 (READ-ONLY COPY).

The authoritative reference and input builder live on the scoring server;
editing this copy changes nothing except your own understanding.
"""

import jax, jax.numpy as jnp
import numpy as np

VOCAB = 1000000
DIM = 64
B = 4096
L = 200


def setup_inputs(seed: int = 0) -> dict:
    key = jax.random.key(seed)
    k1, k2 = jax.random.split(key)
    item_seq = jax.random.randint(k1, (B, L), 0, VOCAB)
    # item embedding table (nn.Embedding with padding_idx=0 -> row 0 is zeros)
    item_emb_weight = jax.random.normal(k2, (VOCAB, DIM), dtype=jnp.float32)
    item_emb_weight = item_emb_weight.at[0].set(0.0)
    return {"item_seq": item_seq, "item_emb_weight": item_emb_weight}


def reference(item_seq, item_emb_weight):
    # Core embedding lookup of SequenceBaseModel: self.item_emb(item_seq)
    # nn.Embedding -> row gather from the table.
    return jnp.take(item_emb_weight, item_seq, axis=0)

if __name__ == "__main__":
    import jax
    _d = setup_inputs()
    print(jax.jit(kernel)(*tuple(_d.values())))

</pallas_src>

<mosaic_0001>
#map = affine_map<(d0, d1) -> (0, 0)>
#map1 = affine_map<(d0, d1) -> (0, 0, 0)>
module attributes {stable_mosaic.version = 14 : i64} {
  func.func @gather(%arg0: i32, %arg1: i32, %arg2: memref<4096x200xi32, #tpu.memory_space<hbm>>, %arg3: memref<1000000x64xf32, #tpu.memory_space<hbm>>, %arg4: memref<4096x200x64xf32, #tpu.memory_space<hbm>>, %arg5: memref<128x200xi32, #tpu.memory_space<vmem>>, %arg6: memref<4x128x64xf32, #tpu.memory_space<vmem>>, %arg7: memref<!tpu.dma_semaphore, #tpu.memory_space<semaphore_mem>>, %arg8: memref<!tpu.dma_semaphore, #tpu.memory_space<semaphore_mem>>, %arg9: memref<!tpu.dma_semaphore, #tpu.memory_space<semaphore_mem>>, %arg10: memref<!tpu.dma_semaphore, #tpu.memory_space<semaphore_mem>>, %arg11: memref<!tpu.dma_semaphore, #tpu.memory_space<semaphore_mem>>, %arg12: memref<!tpu.dma_semaphore, #tpu.memory_space<semaphore_mem>>, %arg13: memref<!tpu.dma_semaphore, #tpu.memory_space<semaphore_mem>>, %arg14: memref<!tpu.dma_semaphore, #tpu.memory_space<semaphore_mem>>) attributes {dimension_semantics = [#tpu.dimension_semantics<core_parallel>, #tpu.dimension_semantics<subcore_parallel>], iteration_bounds = array<i64: 2, 16>, scalar_prefetch = 0 : i64, scratch_operands = 10 : i64, tpu.core_type = #tpu.core_type<sc_vector_subcore>, window_params = [{transform_indices = #map}, {transform_indices = #map}, {transform_indices = #map1}]} {
    %mul3A = arith.constant 2 : i32
    %mul3A_0 = arith.muli %arg1, %mul3A : i32
    %add3A = arith.addi %mul3A_0, %arg0 : i32
    %mul3A_1 = arith.constant 128 : i32
    %mul3A_2 = arith.muli %add3A, %mul3A_1 : i32
    "tpu.region"() ({
      %run_scoped3A = tpu.sem_alloc : memref<!tpu.dma_semaphore, #tpu.memory_space<semaphore_mem>>
      %dma_start3A_66 = arith.constant 0 : i32
      %dma_start3A_67 = tpu.memref_slice %arg2[%mul3A_2, %dma_start3A_66] : memref<4096x200xi32, #tpu.memory_space<hbm>> -> memref<128x200xi32, #tpu.memory_space<hbm>>
      %dma_start3A_68 = arith.constant 0 : i32
      %dma_start3A_69 = tpu.memref_slice %arg2[%mul3A_2, %dma_start3A_68] : memref<4096x200xi32, #tpu.memory_space<hbm>> -> memref<128x200xi32, #tpu.memory_space<hbm>>
      tpu.enqueue_dma source(%dma_start3A_69 : memref<128x200xi32, #tpu.memory_space<hbm>>) target(%arg5 : memref<128x200xi32, #tpu.memory_space<vmem>>) target_semaphore(%run_scoped3A : memref<!tpu.dma_semaphore, #tpu.memory_space<semaphore_mem>>)
      %dma_wait3A_70 = arith.constant 0 : i32
      %dma_wait3A_71 = tpu.memref_slice %arg2[%mul3A_2, %dma_wait3A_70] : memref<4096x200xi32, #tpu.memory_space<hbm>> -> memref<128x200xi32, #tpu.memory_space<hbm>>
      %dma_wait3A_72 = arith.constant 0 : i32
      %dma_wait3A_73 = tpu.memref_slice %arg2[%mul3A_2, %dma_wait3A_72] : memref<4096x200xi32, #tpu.memory_space<hbm>> -> memref<128x200xi32, #tpu.memory_space<hbm>>
      tpu.wait_dma2 semaphore(%run_scoped3A : memref<!tpu.dma_semaphore, #tpu.memory_space<semaphore_mem>>) src(%dma_wait3A_73 : memref<128x200xi32, #tpu.memory_space<hbm>>) dst(%arg5 : memref<128x200xi32, #tpu.memory_space<vmem>>)
      tpu.yield
    }) : () -> ()
    %dma_start3A = arith.constant 0 : i32
    %dma_start3A_3 = arith.constant 0 : i32
    %dma_start3A_4 = arith.constant 0 : i32
    %dma_start3A_5 = arith.constant 0 : i32
    %dma_start3A_6 = tpu.memref_slice %arg6[%dma_start3A_3, %dma_start3A_4, %dma_start3A_5] : memref<4x128x64xf32, #tpu.memory_space<vmem>> -> memref<1x128x64xf32, #tpu.memory_space<vmem>>
    %dma_start3A_7 = tpu.memref_squeeze %dma_start3A_6 : memref<1x128x64xf32, #tpu.memory_space<vmem>> -> memref<128x64xf32, #tpu.memory_space<vmem>>
    %dma_start3A_8 = arith.constant 0 : i32
    %dma_start3A_9 = tpu.memref_slice %arg5[%dma_start3A, %dma_start3A_8] : memref<128x200xi32, #tpu.memory_space<vmem>> -> memref<1x128xi32, #tpu.memory_space<vmem>>
    %dma_start3A_10 = tpu.memref_squeeze %dma_start3A_9 : memref<1x128xi32, #tpu.memory_space<vmem>> -> memref<128xi32, #tpu.memory_space<vmem>>
    %dma_start3A_11 = arith.constant 0 : i32
    %dma_start3A_12 = arith.constant 0 : i32
    %dma_start3A_13 = tpu.memref_slice %arg3[%dma_start3A_11, %dma_start3A_12] : memref<1000000x64xf32, #tpu.memory_space<hbm>> -> memref<1000000x64xf32, #tpu.memory_space<hbm>>
    tpu.enqueue_indirect_dma source(%dma_start3A_13 : memref<1000000x64xf32, #tpu.memory_space<hbm>>) target(%dma_start3A_7 : memref<128x64xf32, #tpu.memory_space<vmem>>) offsets(%dma_start3A_10 : memref<128xi32, #tpu.memory_space<vmem>>) semaphore(%arg7 : memref<!tpu.dma_semaphore, #tpu.memory_space<semaphore_mem>>)
    %dma_start3A_14 = arith.constant 0 : i32
    %dma_start3A_15 = arith.constant 1 : i32
    %dma_start3A_16 = arith.constant 0 : i32
    %dma_start3A_17 = arith.constant 0 : i32
    %dma_start3A_18 = tpu.memref_slice %arg6[%dma_start3A_15, %dma_start3A_16, %dma_start3A_17] : memref<4x128x64xf32, #tpu.memory_space<vmem>> -> memref<1x72x64xf32, #tpu.memory_space<vmem>>
    %dma_start3A_19 = tpu.memref_squeeze %dma_start3A_18 : memref<1x72x64xf32, #tpu.memory_space<vmem>> -> memref<72x64xf32, #tpu.memory_space<vmem>>
    %dma_start3A_20 = arith.constant 128 : i32
    %dma_start3A_21 = tpu.memref_slice %arg5[%dma_start3A_14, %dma_start3A_20] : memref<128x200xi32, #tpu.memory_space<vmem>> -> memref<1x72xi32, #tpu.memory_space<vmem>>
    %dma_start3A_22 = tpu.memref_squeeze %dma_start3A_21 : memref<1x72xi32, #tpu.memory_space<vmem>> -> memref<72xi32, #tpu.memory_space<vmem>>
    %dma_start3A_23 = arith.constant 0 : i32
    %dma_start3A_24 = arith.constant 0 : i32
    %dma_start3A_25 = tpu.memref_slice %arg3[%dma_start3A_23, %dma_start3A_24] : memref<1000000x64xf32, #tpu.memory_space<hbm>> -> memref<1000000x64xf32, #tpu.memory_space<hbm>>
    tpu.enqueue_indirect_dma source(%dma_start3A_25 : memref<1000000x64xf32, #tpu.memory_space<hbm>>) target(%dma_start3A_19 : memref<72x64xf32, #tpu.memory_space<vmem>>) offsets(%dma_start3A_22 : memref<72xi32, #tpu.memory_space<vmem>>) semaphore(%arg8 : memref<!tpu.dma_semaphore, #tpu.memory_space<semaphore_mem>>)
    %scan3A = arith.constant 0 : i32
    %scan3A_26 = arith.constant 0 : i32
    %scan3A_27 = arith.constant 64 : i32
    %scan3A_28 = arith.addi %scan3A_26, %scan3A_27 : i32
    %scan3A_29 = arith.constant 1 : i32
    scf.for %scan3A_66 = %scan3A_26 to %scan3A_28 step %scan3A_29  : i32 {
      %mul3A_67 = arith.constant 4 : i32
      %mul3A_68 = arith.muli %scan3A_66, %mul3A_67 : i32
      %add3A_69 = arith.constant 0 : i32
      %add3A_70 = arith.addi %mul3A_68, %add3A_69 : i32
      %ge3A = arith.constant 1 : i32
      %ge3A_71 = arith.cmpi sge, %scan3A_66, %ge3A : i32
      %convert_element_type3A = arith.extui %ge3A_71 : i1 to i32
      %cond3A = arith.constant 0 : i32
      %cond3A_72 = arith.cmpi ne, %convert_element_type3A, %cond3A : i32
      scf.if %cond3A_72 {
        %dma_wait3A_352 = arith.constant 2 : i32
        %dma_wait3A_353 = arith.constant 0 : i32
        %dma_wait3A_354 = arith.constant 0 : i32
        %dma_wait3A_355 = arith.constant 0 : i32
        %dma_wait3A_356 = tpu.memref_slice %arg6[%dma_wait3A_352, %dma_wait3A_354, %dma_wait3A_355] : memref<4x128x64xf32, #tpu.memory_space<vmem>> -> memref<1x128x64xf32, #tpu.memory_space<vmem>>
        %dma_wait3A_357 = tpu.memref_squeeze %dma_wait3A_356 : memref<1x128x64xf32, #tpu.memory_space<vmem>> -> memref<128x64xf32, #tpu.memory_space<vmem>>
        %dma_wait3A_358 = arith.constant 0 : i32
        %dma_wait3A_359 = arith.constant 0 : i32
        %dma_wait3A_360 = tpu.memref_slice %arg4[%dma_wait3A_353, %dma_wait3A_358, %dma_wait3A_359] : memref<4096x200x64xf32, #tpu.memory_space<hbm>> -> memref<1x128x64xf32, #tpu.memory_space<hbm>>
        %dma_wait3A_361 = tpu.memref_squeeze %dma_wait3A_360 : memref<1x128x64xf32, #tpu.memory_space<hbm>> -> memref<128x64xf32, #tpu.memory_space<hbm>>
        %dma_wait3A_362 = arith.constant 0 : i32
        %dma_wait3A_363 = arith.constant 0 : i32
        %dma_wait3A_364 = tpu.memref_slice %arg4[%dma_wait3A_353, %dma_wait3A_362, %dma_wait3A_363] : memref<4096x200x64xf32, #tpu.memory_space<hbm>> -> memref<1x128x64xf32, #tpu.memory_space<hbm>>
        %dma_wait3A_365 = tpu.memref_squeeze %dma_wait3A_364 : memref<1x128x64xf32, #tpu.memory_space<hbm>> -> memref<128x64xf32, #tpu.memory_space<hbm>>
        %dma_wait3A_366 = arith.constant 0 : i32
        %dma_wait3A_367 = arith.constant 0 : i32
        %dma_wait3A_368 = tpu.memref_slice %arg6[%dma_wait3A_352, %dma_wait3A_366, %dma_wait3A_367] : memref<4x128x64xf32, #tpu.memory_space<vmem>> -> memref<1x128x64xf32, #tpu.memory_space<vmem>>
        %dma_wait3A_369 = tpu.memref_squeeze %dma_wait3A_368 : memref<1x128x64xf32, #tpu.memory_space<vmem>> -> memref<128x64xf32, #tpu.memory_space<vmem>>
        tpu.wait_dma2 semaphore(%arg13 : memref<!tpu.dma_semaphore, #tpu.memory_space<semaphore_mem>>) src(%dma_wait3A_369 : memref<128x64xf32, #tpu.memory_space<vmem>>) dst(%dma_wait3A_365 : memref<128x64xf32, #tpu.memory_space<hbm>>)
        %add3A_370 = arith.constant 2 : i32
        %add3A_371 = arith.addi %add3A_70, %add3A_370 : i32
        %jit3A_372 = arith.constant 2 : i32
        %div3A_373 = arith.divsi %add3A_371, %jit3A_372 : i32
        %sign3A_374 = arith.constant 0 : i32
        %sign3A_375 = arith.cmpi sgt, %add3A_371, %sign3A_374 : i32
        %sign3A_376 = arith.extui %sign3A_375 : i1 to i32
        %sign3A_377 = arith.constant 0 : i32
        %sign3A_378 = arith.cmpi slt, %add3A_371, %sign3A_377 : i32
        %sign3A_379 = arith.extui %sign3A_378 : i1 to i32
        %sign3A_380 = arith.subi %sign3A_376, %sign3A_379 : i32
        %sign3A_381 = arith.constant 0 : i32
        %sign3A_382 = arith.cmpi sgt, %jit3A_372, %sign3A_381 : i32
        %sign3A_383 = arith.extui %sign3A_382 : i1 to i32
        %sign3A_384 = arith.constant 0 : i32
        %sign3A_385 = arith.cmpi slt, %jit3A_372, %sign3A_384 : i32
        %sign3A_386 = arith.extui %sign3A_385 : i1 to i32
        %sign3A_387 = arith.subi %sign3A_383, %sign3A_386 : i32
        %ne3A_388 = arith.cmpi ne, %sign3A_380, %sign3A_387 : i32
        %rem3A_389 = arith.remsi %add3A_371, %jit3A_372 : i32
        %ne3A_390 = arith.constant 0 : i32
        %ne3A_391 = arith.cmpi ne, %rem3A_389, %ne3A_390 : i32
        %and3A_392 = arith.andi %ne3A_388, %ne3A_391 : i1
        %sub3A_393 = arith.constant 1 : i32
        %sub3A_394 = arith.subi %div3A_373, %sub3A_393 : i32
        %select_n3A_395 = arith.select %and3A_392, %sub3A_394, %div3A_373 : i32
        %dma_start3A_396 = arith.constant 2 : i32
        %dma_start3A_397 = arith.constant 0 : i32
        %dma_start3A_398 = arith.constant 0 : i32
        %dma_start3A_399 = tpu.memref_slice %arg6[%dma_start3A_396, %dma_start3A_397, %dma_start3A_398] : memref<4x128x64xf32, #tpu.memory_space<vmem>> -> memref<1x128x64xf32, #tpu.memory_space<vmem>>
        %dma_start3A_400 = tpu.memref_squeeze %dma_start3A_399 : memref<1x128x64xf32, #tpu.memory_space<vmem>> -> memref<128x64xf32, #tpu.memory_space<vmem>>
        %dma_start3A_401 = arith.constant 0 : i32
        %dma_start3A_402 = tpu.memref_slice %arg5[%select_n3A_395, %dma_start3A_401] : memref<128x200xi32, #tpu.memory_space<vmem>> -> memref<1x128xi32, #tpu.memory_space<vmem>>
        %dma_start3A_403 = tpu.memref_squeeze %dma_start3A_402 : memref<1x128xi32, #tpu.memory_space<vmem>> -> memref<128xi32, #tpu.memory_space<vmem>>
        %dma_start3A_404 = arith.constant 0 : i32
        %dma_start3A_405 = arith.constant 0 : i32
        %dma_start3A_406 = tpu.memref_slice %arg3[%dma_start3A_404, %dma_start3A_405] : memref<1000000x64xf32, #tpu.memory_space<hbm>> -> memref<1000000x64xf32, #tpu.memory_space<hbm>>
        tpu.enqueue_indirect_dma source(%dma_start3A_406 : memref<1000000x64xf32, #tpu.memory_space<hbm>>) target(%dma_start3A_400 : memref<128x64xf32, #tpu.memory_space<vmem>>) offsets(%dma_start3A_403 : memref<128xi32, #tpu.memory_space<vmem>>) semaphore(%arg9 : memref<!tpu.dma_semaphore, #tpu.memory_space<semaphore_mem>>)
      } else {
      }
      %eq3A = arith.constant 0 : i32
      %eq3A_73 = arith.cmpi eq, %scan3A_66, %eq3A : i32
      %convert_element_type3A_74 = arith.extui %eq3A_73 : i1 to i32
      %cond3A_75 = arith.constant 0 : i32
      %cond3A_76 = arith.cmpi ne, %convert_element_type3A_74, %cond3A_75 : i32
      scf.if %cond3A_76 {
        %add3A_352 = arith.constant 2 : i32
        %add3A_353 = arith.addi %add3A_70, %add3A_352 : i32
        %jit3A_354 = arith.constant 2 : i32
        %div3A_355 = arith.divsi %add3A_353, %jit3A_354 : i32
        %sign3A_356 = arith.constant 0 : i32
        %sign3A_357 = arith.cmpi sgt, %add3A_353, %sign3A_356 : i32
        %sign3A_358 = arith.extui %sign3A_357 : i1 to i32
        %sign3A_359 = arith.constant 0 : i32
        %sign3A_360 = arith.cmpi slt, %add3A_353, %sign3A_359 : i32
        %sign3A_361 = arith.extui %sign3A_360 : i1 to i32
        %sign3A_362 = arith.subi %sign3A_358, %sign3A_361 : i32
        %sign3A_363 = arith.constant 0 : i32
        %sign3A_364 = arith.cmpi sgt, %jit3A_354, %sign3A_363 : i32
        %sign3A_365 = arith.extui %sign3A_364 : i1 to i32
        %sign3A_366 = arith.constant 0 : i32
        %sign3A_367 = arith.cmpi slt, %jit3A_354, %sign3A_366 : i32
        %sign3A_368 = arith.extui %sign3A_367 : i1 to i32
        %sign3A_369 = arith.subi %sign3A_365, %sign3A_368 : i32
        %ne3A_370 = arith.cmpi ne, %sign3A_362, %sign3A_369 : i32
        %rem3A_371 = arith.remsi %add3A_353, %jit3A_354 : i32
        %ne3A_372 = arith.constant 0 : i32
        %ne3A_373 = arith.cmpi ne, %rem3A_371, %ne3A_372 : i32
        %and3A_374 = arith.andi %ne3A_370, %ne3A_373 : i1
        %sub3A_375 = arith.constant 1 : i32
        %sub3A_376 = arith.subi %div3A_355, %sub3A_375 : i32
        %select_n3A_377 = arith.select %and3A_374, %sub3A_376, %div3A_355 : i32
        %dma_start3A_378 = arith.constant 2 : i32
        %dma_start3A_379 = arith.constant 0 : i32
        %dma_start3A_380 = arith.constant 0 : i32
        %dma_start3A_381 = tpu.memref_slice %arg6[%dma_start3A_378, %dma_start3A_379, %dma_start3A_380] : memref<4x128x64xf32, #tpu.memory_space<vmem>> -> memref<1x128x64xf32, #tpu.memory_space<vmem>>
        %dma_start3A_382 = tpu.memref_squeeze %dma_start3A_381 : memref<1x128x64xf32, #tpu.memory_space<vmem>> -> memref<128x64xf32, #tpu.memory_space<vmem>>
        %dma_start3A_383 = arith.constant 0 : i32
        %dma_start3A_384 = tpu.memref_slice %arg5[%select_n3A_377, %dma_start3A_383] : memref<128x200xi32, #tpu.memory_space<vmem>> -> memref<1x128xi32, #tpu.memory_space<vmem>>
        %dma_start3A_385 = tpu.memref_squeeze %dma_start3A_384 : memref<1x128xi32, #tpu.memory_space<vmem>> -> memref<128xi32, #tpu.memory_space<vmem>>
        %dma_start3A_386 = arith.constant 0 : i32
        %dma_start3A_387 = arith.constant 0 : i32
        %dma_start3A_388 = tpu.memref_slice %arg3[%dma_start3A_386, %dma_start3A_387] : memref<1000000x64xf32, #tpu.memory_space<hbm>> -> memref<1000000x64xf32, #tpu.memory_space<hbm>>
        tpu.enqueue_indirect_dma source(%dma_start3A_388 : memref<1000000x64xf32, #tpu.memory_space<hbm>>) target(%dma_start3A_382 : memref<128x64xf32, #tpu.memory_space<vmem>>) offsets(%dma_start3A_385 : memref<128xi32, #tpu.memory_space<vmem>>) semaphore(%arg9 : memref<!tpu.dma_semaphore, #tpu.memory_space<semaphore_mem>>)
      } else {
      }
      %dma_wait3A_77 = arith.constant 0 : i32
      %dma_wait3A_78 = arith.constant 0 : i32
      %dma_wait3A_79 = arith.constant 0 : i32
      %dma_wait3A_80 = arith.constant 0 : i32
      %dma_wait3A_81 = tpu.memref_slice %arg6[%dma_wait3A_78, %dma_wait3A_79, %dma_wait3A_80] : memref<4x128x64xf32, #tpu.memory_space<vmem>> -> memref<1x128x64xf32, #tpu.memory_space<vmem>>
      %dma_wait3A_82 = tpu.memref_squeeze %dma_wait3A_81 : memref<1x128x64xf32, #tpu.memory_space<vmem>> -> memref<128x64xf32, #tpu.memory_space<vmem>>
      %dma_wait3A_83 = arith.constant 0 : i32
      %dma_wait3A_84 = tpu.memref_slice %arg5[%dma_wait3A_77, %dma_wait3A_83] : memref<128x200xi32, #tpu.memory_space<vmem>> -> memref<1x128xi32, #tpu.memory_space<vmem>>
      %dma_wait3A_85 = tpu.memref_squeeze %dma_wait3A_84 : memref<1x128xi32, #tpu.memory_space<vmem>> -> memref<128xi32, #tpu.memory_space<vmem>>
      %dma_wait3A_86 = arith.constant 0 : i32
      %dma_wait3A_87 = arith.constant 0 : i32
      %dma_wait3A_88 = tpu.memref_slice %arg3[%dma_wait3A_86, %dma_wait3A_87] : memref<1000000x64xf32, #tpu.memory_space<hbm>> -> memref<1000000x64xf32, #tpu.memory_space<hbm>>
      tpu.wait_indirect_dma semaphore(%arg7 : memref<!tpu.dma_semaphore, #tpu.memory_space<semaphore_mem>>) src(%dma_wait3A_88 : memref<1000000x64xf32, #tpu.memory_space<hbm>>) dst(%dma_wait3A_82 : memref<128x64xf32, #tpu.memory_space<vmem>>)
      %jit3A = arith.constant 2 : i32
      %div3A = arith.divsi %add3A_70, %jit3A : i32
      %sign3A = arith.constant 0 : i32
      %sign3A_89 = arith.cmpi sgt, %add3A_70, %sign3A : i32
      %sign3A_90 = arith.extui %sign3A_89 : i1 to i32
      %sign3A_91 = arith.constant 0 : i32
      %sign3A_92 = arith.cmpi slt, %add3A_70, %sign3A_91 : i32
      %sign3A_93 = arith.extui %sign3A_92 : i1 to i32
      %sign3A_94 = arith.subi %sign3A_90, %sign3A_93 : i32
      %sign3A_95 = arith.constant 0 : i32
      %sign3A_96 = arith.cmpi sgt, %jit3A, %sign3A_95 : i32
      %sign3A_97 = arith.extui %sign3A_96 : i1 to i32
      %sign3A_98 = arith.constant 0 : i32
      %sign3A_99 = arith.cmpi slt, %jit3A, %sign3A_98 : i32
      %sign3A_100 = arith.extui %sign3A_99 : i1 to i32
      %sign3A_101 = arith.subi %sign3A_97, %sign3A_100 : i32
      %ne3A = arith.cmpi ne, %sign3A_94, %sign3A_101 : i32
      %rem3A = arith.remsi %add3A_70, %jit3A : i32
      %ne3A_102 = arith.constant 0 : i32
      %ne3A_103 = arith.cmpi ne, %rem3A, %ne3A_102 : i32
      %and3A = arith.andi %ne3A, %ne3A_103 : i1
      %sub3A = arith.constant 1 : i32
      %sub3A_104 = arith.subi %div3A, %sub3A : i32
      %select_n3A = arith.select %and3A, %sub3A_104, %div3A : i32
      %add3A_105 = arith.addi %mul3A_2, %select_n3A : i32
      %dma_start3A_106 = arith.constant 0 : i32
      %dma_start3A_107 = arith.constant 0 : i32
      %dma_start3A_108 = arith.constant 0 : i32
      %dma_start3A_109 = tpu.memref_slice %arg6[%dma_start3A_106, %dma_start3A_107, %dma_start3A_108] : memref<4x128x64xf32, #tpu.memory_space<vmem>> -> memref<1x128x64xf32, #tpu.memory_space<vmem>>
      %dma_start3A_110 = tpu.memref_squeeze %dma_start3A_109 : memref<1x128x64xf32, #tpu.memory_space<vmem>> -> memref<128x64xf32, #tpu.memory_space<vmem>>
      %dma_start3A_111 = arith.constant 0 : i32
      %dma_start3A_112 = arith.constant 0 : i32
      %dma_start3A_113 = tpu.memref_slice %arg4[%add3A_105, %dma_start3A_111, %dma_start3A_112] : memref<4096x200x64xf32, #tpu.memory_space<hbm>> -> memref<1x128x64xf32, #tpu.memory_space<hbm>>
      %dma_start3A_114 = tpu.memref_squeeze %dma_start3A_113 : memref<1x128x64xf32, #tpu.memory_space<hbm>> -> memref<128x64xf32, #tpu.memory_space<hbm>>
      %dma_start3A_115 = arith.constant 0 : i32
      %dma_start3A_116 = arith.constant 0 : i32
      %dma_start3A_117 = tpu.memref_slice %arg4[%add3A_105, %dma_start3A_115, %dma_start3A_116] : memref<4096x200x64xf32, #tpu.memory_space<hbm>> -> memref<1x128x64xf32, #tpu.memory_space<hbm>>
      %dma_start3A_118 = tpu.memref_squeeze %dma_start3A_117 : memref<1x128x64xf32, #tpu.memory_space<hbm>> -> memref<128x64xf32, #tpu.memory_space<hbm>>
      %dma_start3A_119 = arith.constant 0 : i32
      %dma_start3A_120 = arith.constant 0 : i32
      %dma_start3A_121 = tpu.memref_slice %arg6[%dma_start3A_106, %dma_start3A_119, %dma_start3A_120] : memref<4x128x64xf32, #tpu.memory_space<vmem>> -> memref<1x128x64xf32, #tpu.memory_space<vmem>>
      %dma_start3A_122 = tpu.memref_squeeze %dma_start3A_121 : memref<1x128x64xf32, #tpu.memory_space<vmem>> -> memref<128x64xf32, #tpu.memory_space<vmem>>
      tpu.enqueue_dma source(%dma_start3A_122 : memref<128x64xf32, #tpu.memory_space<vmem>>) target(%dma_start3A_118 : memref<128x64xf32, #tpu.memory_space<hbm>>) target_semaphore(%arg11 : memref<!tpu.dma_semaphore, #tpu.memory_space<semaphore_mem>>)
      %mul3A_123 = arith.constant 4 : i32
      %mul3A_124 = arith.muli %scan3A_66, %mul3A_123 : i32
      %add3A_125 = arith.constant 1 : i32
      %add3A_126 = arith.addi %mul3A_124, %add3A_125 : i32
      %ge3A_127 = arith.constant 1 : i32
      %ge3A_128 = arith.cmpi sge, %scan3A_66, %ge3A_127 : i32
      %convert_element_type3A_129 = arith.extui %ge3A_128 : i1 to i32
      %cond3A_130 = arith.constant 0 : i32
      %cond3A_131 = arith.cmpi ne, %convert_element_type3A_129, %cond3A_130 : i32
      scf.if %cond3A_131 {
        %dma_wait3A_352 = arith.constant 3 : i32
        %dma_wait3A_353 = arith.constant 0 : i32
        %dma_wait3A_354 = arith.constant 0 : i32
        %dma_wait3A_355 = arith.constant 0 : i32
        %dma_wait3A_356 = tpu.memref_slice %arg6[%dma_wait3A_352, %dma_wait3A_354, %dma_wait3A_355] : memref<4x128x64xf32, #tpu.memory_space<vmem>> -> memref<1x72x64xf32, #tpu.memory_space<vmem>>
        %dma_wait3A_357 = tpu.memref_squeeze %dma_wait3A_356 : memref<1x72x64xf32, #tpu.memory_space<vmem>> -> memref<72x64xf32, #tpu.memory_space<vmem>>
        %dma_wait3A_358 = arith.constant 128 : i32
        %dma_wait3A_359 = arith.constant 0 : i32
        %dma_wait3A_360 = tpu.memref_slice %arg4[%dma_wait3A_353, %dma_wait3A_358, %dma_wait3A_359] : memref<4096x200x64xf32, #tpu.memory_space<hbm>> -> memref<1x72x64xf32, #tpu.memory_space<hbm>>
        %dma_wait3A_361 = tpu.memref_squeeze %dma_wait3A_360 : memref<1x72x64xf32, #tpu.memory_space<hbm>> -> memref<72x64xf32, #tpu.memory_space<hbm>>
        %dma_wait3A_362 = arith.constant 128 : i32
        %dma_wait3A_363 = arith.constant 0 : i32
        %dma_wait3A_364 = tpu.memref_slice %arg4[%dma_wait3A_353, %dma_wait3A_362, %dma_wait3A_363] : memref<4096x200x64xf32, #tpu.memory_space<hbm>> -> memref<1x72x64xf32, #tpu.memory_space<hbm>>
        %dma_wait3A_365 = tpu.memref_squeeze %dma_wait3A_364 : memref<1x72x64xf32, #tpu.memory_space<hbm>> -> memref<72x64xf32, #tpu.memory_space<hbm>>
        %dma_wait3A_366 = arith.constant 0 : i32
        %dma_wait3A_367 = arith.constant 0 : i32
        %dma_wait3A_368 = tpu.memref_slice %arg6[%dma_wait3A_352, %dma_wait3A_366, %dma_wait3A_367] : memref<4x128x64xf32, #tpu.memory_space<vmem>> -> memref<1x72x64xf32, #tpu.memory_space<vmem>>
        %dma_wait3A_369 = tpu.memref_squeeze %dma_wait3A_368 : memref<1x72x64xf32, #tpu.memory_space<vmem>> -> memref<72x64xf32, #tpu.memory_space<vmem>>
        tpu.wait_dma2 semaphore(%arg14 : memref<!tpu.dma_semaphore, #tpu.memory_space<semaphore_mem>>) src(%dma_wait3A_369 : memref<72x64xf32, #tpu.memory_space<vmem>>) dst(%dma_wait3A_365 : memref<72x64xf32, #tpu.memory_space<hbm>>)
        %add3A_370 = arith.constant 2 : i32
        %add3A_371 = arith.addi %add3A_126, %add3A_370 : i32
        %jit3A_372 = arith.constant 2 : i32
        %div3A_373 = arith.divsi %add3A_371, %jit3A_372 : i32
        %sign3A_374 = arith.constant 0 : i32
        %sign3A_375 = arith.cmpi sgt, %add3A_371, %sign3A_374 : i32
        %sign3A_376 = arith.extui %sign3A_375 : i1 to i32
        %sign3A_377 = arith.constant 0 : i32
        %sign3A_378 = arith.cmpi slt, %add3A_371, %sign3A_377 : i32
        %sign3A_379 = arith.extui %sign3A_378 : i1 to i32
        %sign3A_380 = arith.subi %sign3A_376, %sign3A_379 : i32
        %sign3A_381 = arith.constant 0 : i32
        %sign3A_382 = arith.cmpi sgt, %jit3A_372, %sign3A_381 : i32
        %sign3A_383 = arith.extui %sign3A_382 : i1 to i32
        %sign3A_384 = arith.constant 0 : i32
        %sign3A_385 = arith.cmpi slt, %jit3A_372, %sign3A_384 : i32
        %sign3A_386 = arith.extui %sign3A_385 : i1 to i32
        %sign3A_387 = arith.subi %sign3A_383, %sign3A_386 : i32
        %ne3A_388 = arith.cmpi ne, %sign3A_380, %sign3A_387 : i32
        %rem3A_389 = arith.remsi %add3A_371, %jit3A_372 : i32
        %ne3A_390 = arith.constant 0 : i32
        %ne3A_391 = arith.cmpi ne, %rem3A_389, %ne3A_390 : i32
        %and3A_392 = arith.andi %ne3A_388, %ne3A_391 : i1
        %sub3A_393 = arith.constant 1 : i32
        %sub3A_394 = arith.subi %div3A_373, %sub3A_393 : i32
        %select_n3A_395 = arith.select %and3A_392, %sub3A_394, %div3A_373 : i32
        %dma_start3A_396 = arith.constant 3 : i32
        %dma_start3A_397 = arith.constant 0 : i32
        %dma_start3A_398 = arith.constant 0 : i32
        %dma_start3A_399 = tpu.memref_slice %arg6[%dma_start3A_396, %dma_start3A_397, %dma_start3A_398] : memref<4x128x64xf32, #tpu.memory_space<vmem>> -> memref<1x72x64xf32, #tpu.memory_space<vmem>>
        %dma_start3A_400 = tpu.memref_squeeze %dma_start3A_399 : memref<1x72x64xf32, #tpu.memory_space<vmem>> -> memref<72x64xf32, #tpu.memory_space<vmem>>
        %dma_start3A_401 = arith.constant 128 : i32
        %dma_start3A_402 = tpu.memref_slice %arg5[%select_n3A_395, %dma_start3A_401] : memref<128x200xi32, #tpu.memory_space<vmem>> -> memref<1x72xi32, #tpu.memory_space<vmem>>
        %dma_start3A_403 = tpu.memref_squeeze %dma_start3A_402 : memref<1x72xi32, #tpu.memory_space<vmem>> -> memref<72xi32, #tpu.memory_space<vmem>>
        %dma_start3A_404 = arith.constant 0 : i32
        %dma_start3A_405 = arith.constant 0 : i32
        %dma_start3A_406 = tpu.memref_slice %arg3[%dma_start3A_404, %dma_start3A_405] : memref<1000000x64xf32, #tpu.memory_space<hbm>> -> memref<1000000x64xf32, #tpu.memory_space<hbm>>
        tpu.enqueue_indirect_dma source(%dma_start3A_406 : memref<1000000x64xf32, #tpu.memory_space<hbm>>) target(%dma_start3A_400 : memref<72x64xf32, #tpu.memory_space<vmem>>) offsets(%dma_start3A_403 : memref<72xi32, #tpu.memory_space<vmem>>) semaphore(%arg10 : memref<!tpu.dma_semaphore, #tpu.memory_space<semaphore_mem>>)
      } else {
      }
      %eq3A_132 = arith.constant 0 : i32
      %eq3A_133 = arith.cmpi eq, %scan3A_66, %eq3A_132 : i32
      %convert_element_type3A_134 = arith.extui %eq3A_133 : i1 to i32
      %cond3A_135 = arith.constant 0 : i32
      %cond3A_136 = arith.cmpi ne, %convert_element_type3A_134, %cond3A_135 : i32
      scf.if %cond3A_136 {
        %add3A_352 = arith.constant 2 : i32
        %add3A_353 = arith.addi %add3A_126, %add3A_352 : i32
        %jit3A_354 = arith.constant 2 : i32
        %div3A_355 = arith.divsi %add3A_353, %jit3A_354 : i32
        %sign3A_356 = arith.constant 0 : i32
        %sign3A_357 = arith.cmpi sgt, %add3A_353, %sign3A_356 : i32
        %sign3A_358 = arith.extui %sign3A_357 : i1 to i32
        %sign3A_359 = arith.constant 0 : i32
        %sign3A_360 = arith.cmpi slt, %add3A_353, %sign3A_359 : i32
        %sign3A_361 = arith.extui %sign3A_360 : i1 to i32
        %sign3A_362 = arith.subi %sign3A_358, %sign3A_361 : i32
        %sign3A_363 = arith.constant 0 : i32
        %sign3A_364 = arith.cmpi sgt, %jit3A_354, %sign3A_363 : i32
        %sign3A_365 = arith.extui %sign3A_364 : i1 to i32
        %sign3A_366 = arith.constant 0 : i32
        %sign3A_367 = arith.cmpi slt, %jit3A_354, %sign3A_366 : i32
        %sign3A_368 = arith.extui %sign3A_367 : i1 to i32
        %sign3A_369 = arith.subi %sign3A_365, %sign3A_368 : i32
        %ne3A_370 = arith.cmpi ne, %sign3A_362, %sign3A_369 : i32
        %rem3A_371 = arith.remsi %add3A_353, %jit3A_354 : i32
        %ne3A_372 = arith.constant 0 : i32
        %ne3A_373 = arith.cmpi ne, %rem3A_371, %ne3A_372 : i32
        %and3A_374 = arith.andi %ne3A_370, %ne3A_373 : i1
        %sub3A_375 = arith.constant 1 : i32
        %sub3A_376 = arith.subi %div3A_355, %sub3A_375 : i32
        %select_n3A_377 = arith.select %and3A_374, %sub3A_376, %div3A_355 : i32
        %dma_start3A_378 = arith.constant 3 : i32
        %dma_start3A_379 = arith.constant 0 : i32
        %dma_start3A_380 = arith.constant 0 : i32
        %dma_start3A_381 = tpu.memref_slice %arg6[%dma_start3A_378, %dma_start3A_379, %dma_start3A_380] : memref<4x128x64xf32, #tpu.memory_space<vmem>> -> memref<1x72x64xf32, #tpu.memory_space<vmem>>
        %dma_start3A_382 = tpu.memref_squeeze %dma_start3A_381 : memref<1x72x64xf32, #tpu.memory_space<vmem>> -> memref<72x64xf32, #tpu.memory_space<vmem>>
        %dma_start3A_383 = arith.constant 128 : i32
        %dma_start3A_384 = tpu.memref_slice %arg5[%select_n3A_377, %dma_start3A_383] : memref<128x200xi32, #tpu.memory_space<vmem>> -> memref<1x72xi32, #tpu.memory_space<vmem>>
        %dma_start3A_385 = tpu.memref_squeeze %dma_start3A_384 : memref<1x72xi32, #tpu.memory_space<vmem>> -> memref<72xi32, #tpu.memory_space<vmem>>
        %dma_start3A_386 = arith.constant 0 : i32
        %dma_start3A_387 = arith.constant 0 : i32
        %dma_start3A_388 = tpu.memref_slice %arg3[%dma_start3A_386, %dma_start3A_387] : memref<1000000x64xf32, #tpu.memory_space<hbm>> -> memref<1000000x64xf32, #tpu.memory_space<hbm>>
        tpu.enqueue_indirect_dma source(%dma_start3A_388 : memref<1000000x64xf32, #tpu.memory_space<hbm>>) target(%dma_start3A_382 : memref<72x64xf32, #tpu.memory_space<vmem>>) offsets(%dma_start3A_385 : memref<72xi32, #tpu.memory_space<vmem>>) semaphore(%arg10 : memref<!tpu.dma_semaphore, #tpu.memory_space<semaphore_mem>>)
      } else {
      }
      %dma_wait3A_137 = arith.constant 0 : i32
      %dma_wait3A_138 = arith.constant 1 : i32
      %dma_wait3A_139 = arith.constant 0 : i32
      %dma_wait3A_140 = arith.constant 0 : i32
      %dma_wait3A_141 = tpu.memref_slice %arg6[%dma_wait3A_138, %dma_wait3A_139, %dma_wait3A_140] : memref<4x128x64xf32, #tpu.memory_space<vmem>> -> memref<1x72x64xf32, #tpu.memory_space<vmem>>
      %dma_wait3A_142 = tpu.memref_squeeze %dma_wait3A_141 : memref<1x72x64xf32, #tpu.memory_space<vmem>> -> memref<72x64xf32, #tpu.memory_space<vmem>>
      %dma_wait3A_143 = arith.constant 128 : i32
      %dma_wait3A_144 = tpu.memref_slice %arg5[%dma_wait3A_137, %dma_wait3A_143] : memref<128x200xi32, #tpu.memory_space<vmem>> -> memref<1x72xi32, #tpu.memory_space<vmem>>
      %dma_wait3A_145 = tpu.memref_squeeze %dma_wait3A_144 : memref<1x72xi32, #tpu.memory_space<vmem>> -> memref<72xi32, #tpu.memory_space<vmem>>
      %dma_wait3A_146 = arith.constant 0 : i32
      %dma_wait3A_147 = arith.constant 0 : i32
      %dma_wait3A_148 = tpu.memref_slice %arg3[%dma_wait3A_146, %dma_wait3A_147] : memref<1000000x64xf32, #tpu.memory_space<hbm>> -> memref<1000000x64xf32, #tpu.memory_space<hbm>>
      tpu.wait_indirect_dma semaphore(%arg8 : memref<!tpu.dma_semaphore, #tpu.memory_space<semaphore_mem>>) src(%dma_wait3A_148 : memref<1000000x64xf32, #tpu.memory_space<hbm>>) dst(%dma_wait3A_142 : memref<72x64xf32, #tpu.memory_space<vmem>>)
      %jit3A_149 = arith.constant 2 : i32
      %div3A_150 = arith.divsi %add3A_126, %jit3A_149 : i32
      %sign3A_151 = arith.constant 0 : i32
      %sign3A_152 = arith.cmpi sgt, %add3A_126, %sign3A_151 : i32
      %sign3A_153 = arith.extui %sign3A_152 : i1 to i32
      %sign3A_154 = arith.constant 0 : i32
      %sign3A_155 = arith.cmpi slt, %add3A_126, %sign3A_154 : i32
      %sign3A_156 = arith.extui %sign3A_155 : i1 to i32
      %sign3A_157 = arith.subi %sign3A_153, %sign3A_156 : i32
      %sign3A_158 = arith.constant 0 : i32
      %sign3A_159 = arith.cmpi sgt, %jit3A_149, %sign3A_158 : i32
      %sign3A_160 = arith.extui %sign3A_159 : i1 to i32
      %sign3A_161 = arith.constant 0 : i32
      %sign3A_162 = arith.cmpi slt, %jit3A_149, %sign3A_161 : i32
      %sign3A_163 = arith.extui %sign3A_162 : i1 to i32
      %sign3A_164 = arith.subi %sign3A_160, %sign3A_163 : i32
      %ne3A_165 = arith.cmpi ne, %sign3A_157, %sign3A_164 : i32
      %rem3A_166 = arith.remsi %add3A_126, %jit3A_149 : i32
      %ne3A_167 = arith.constant 0 : i32
      %ne3A_168 = arith.cmpi ne, %rem3A_166, %ne3A_167 : i32
      %and3A_169 = arith.andi %ne3A_165, %ne3A_168 : i1
      %sub3A_170 = arith.constant 1 : i32
      %sub3A_171 = arith.subi %div3A_150, %sub3A_170 : i32
      %select_n3A_172 = arith.select %and3A_169, %sub3A_171, %div3A_150 : i32
      %add3A_173 = arith.addi %mul3A_2, %select_n3A_172 : i32
      %dma_start3A_174 = arith.constant 1 : i32
      %dma_start3A_175 = arith.constant 0 : i32
      %dma_start3A_176 = arith.constant 0 : i32
      %dma_start3A_177 = tpu.memref_slice %arg6[%dma_start3A_174, %dma_start3A_175, %dma_start3A_176] : memref<4x128x64xf32, #tpu.memory_space<vmem>> -> memref<1x72x64xf32, #tpu.memory_space<vmem>>
      %dma_start3A_178 = tpu.memref_squeeze %dma_start3A_177 : memref<1x72x64xf32, #tpu.memory_space<vmem>> -> memref<72x64xf32, #tpu.memory_space<vmem>>
      %dma_start3A_179 = arith.constant 128 : i32
      %dma_start3A_180 = arith.constant 0 : i32
      %dma_start3A_181 = tpu.memref_slice %arg4[%add3A_173, %dma_start3A_179, %dma_start3A_180] : memref<4096x200x64xf32, #tpu.memory_space<hbm>> -> memref<1x72x64xf32, #tpu.memory_space<hbm>>
      %dma_start3A_182 = tpu.memref_squeeze %dma_start3A_181 : memref<1x72x64xf32, #tpu.memory_space<hbm>> -> memref<72x64xf32, #tpu.memory_space<hbm>>
      %dma_start3A_183 = arith.constant 128 : i32
      %dma_start3A_184 = arith.constant 0 : i32
      %dma_start3A_185 = tpu.memref_slice %arg4[%add3A_173, %dma_start3A_183, %dma_start3A_184] : memref<4096x200x64xf32, #tpu.memory_space<hbm>> -> memref<1x72x64xf32, #tpu.memory_space<hbm>>
      %dma_start3A_186 = tpu.memref_squeeze %dma_start3A_185 : memref<1x72x64xf32, #tpu.memory_space<hbm>> -> memref<72x64xf32, #tpu.memory_space<hbm>>
      %dma_start3A_187 = arith.constant 0 : i32
      %dma_start3A_188 = arith.constant 0 : i32
      %dma_start3A_189 = tpu.memref_slice %arg6[%dma_start3A_174, %dma_start3A_187, %dma_start3A_188] : memref<4x128x64xf32, #tpu.memory_space<vmem>> -> memref<1x72x64xf32, #tpu.memory_space<vmem>>
      %dma_start3A_190 = tpu.memref_squeeze %dma_start3A_189 : memref<1x72x64xf32, #tpu.memory_space<vmem>> -> memref<72x64xf32, #tpu.memory_space<vmem>>
      tpu.enqueue_dma source(%dma_start3A_190 : memref<72x64xf32, #tpu.memory_space<vmem>>) target(%dma_start3A_186 : memref<72x64xf32, #tpu.memory_space<hbm>>) target_semaphore(%arg12 : memref<!tpu.dma_semaphore, #tpu.memory_space<semaphore_mem>>)
      %mul3A_191 = arith.constant 4 : i32
      %mul3A_192 = arith.muli %scan3A_66, %mul3A_191 : i32
      %add3A_193 = arith.constant 2 : i32
      %add3A_194 = arith.addi %mul3A_192, %add3A_193 : i32
      %dma_wait3A_195 = arith.constant 0 : i32
      %dma_wait3A_196 = arith.constant 0 : i32
      %dma_wait3A_197 = arith.constant 0 : i32
      %dma_wait3A_198 = arith.constant 0 : i32
      %dma_wait3A_199 = tpu.memref_slice %arg6[%dma_wait3A_195, %dma_wait3A_197, %dma_wait3A_198] : memref<4x128x64xf32, #tpu.memory_space<vmem>> -> memref<1x128x64xf32, #tpu.memory_space<vmem>>
      %dma_wait3A_200 = tpu.memref_squeeze %dma_wait3A_199 : memref<1x128x64xf32, #tpu.memory_space<vmem>> -> memref<128x64xf32, #tpu.memory_space<vmem>>
      %dma_wait3A_201 = arith.constant 0 : i32
      %dma_wait3A_202 = arith.constant 0 : i32
      %dma_wait3A_203 = tpu.memref_slice %arg4[%dma_wait3A_196, %dma_wait3A_201, %dma_wait3A_202] : memref<4096x200x64xf32, #tpu.memory_space<hbm>> -> memref<1x128x64xf32, #tpu.memory_space<hbm>>
      %dma_wait3A_204 = tpu.memref_squeeze %dma_wait3A_203 : memref<1x128x64xf32, #tpu.memory_space<hbm>> -> memref<128x64xf32, #tpu.memory_space<hbm>>
      %dma_wait3A_205 = arith.constant 0 : i32
      %dma_wait3A_206 = arith.constant 0 : i32
      %dma_wait3A_207 = tpu.memref_slice %arg4[%dma_wait3A_196, %dma_wait3A_205, %dma_wait3A_206] : memref<4096x200x64xf32, #tpu.memory_space<hbm>> -> memref<1x128x64xf32, #tpu.memory_space<hbm>>
      %dma_wait3A_208 = tpu.memref_squeeze %dma_wait3A_207 : memref<1x128x64xf32, #tpu.memory_space<hbm>> -> memref<128x64xf32, #tpu.memory_space<hbm>>
      %dma_wait3A_209 = arith.constant 0 : i32
      %dma_wait3A_210 = arith.constant 0 : i32
      %dma_wait3A_211 = tpu.memref_slice %arg6[%dma_wait3A_195, %dma_wait3A_209, %dma_wait3A_210] : memref<4x128x64xf32, #tpu.memory_space<vmem>> -> memref<1x128x64xf32, #tpu.memory_space<vmem>>
      %dma_wait3A_212 = tpu.memref_squeeze %dma_wait3A_211 : memref<1x128x64xf32, #tpu.memory_space<vmem>> -> memref<128x64xf32, #tpu.memory_space<vmem>>
      tpu.wait_dma2 semaphore(%arg11 : memref<!tpu.dma_semaphore, #tpu.memory_space<semaphore_mem>>) src(%dma_wait3A_212 : memref<128x64xf32, #tpu.memory_space<vmem>>) dst(%dma_wait3A_208 : memref<128x64xf32, #tpu.memory_space<hbm>>)
      %lt3A = arith.constant 63 : i32
      %lt3A_213 = arith.cmpi slt, %scan3A_66, %lt3A : i32
      %convert_element_type3A_214 = arith.extui %lt3A_213 : i1 to i32
      %cond3A_215 = arith.constant 0 : i32
      %cond3A_216 = arith.cmpi ne, %convert_element_type3A_214, %cond3A_215 : i32
      scf.if %cond3A_216 {
        %add3A_352 = arith.constant 2 : i32
        %add3A_353 = arith.addi %add3A_194, %add3A_352 : i32
        %jit3A_354 = arith.constant 2 : i32
        %div3A_355 = arith.divsi %add3A_353, %jit3A_354 : i32
        %sign3A_356 = arith.constant 0 : i32
        %sign3A_357 = arith.cmpi sgt, %add3A_353, %sign3A_356 : i32
        %sign3A_358 = arith.extui %sign3A_357 : i1 to i32
        %sign3A_359 = arith.constant 0 : i32
        %sign3A_360 = arith.cmpi slt, %add3A_353, %sign3A_359 : i32
        %sign3A_361 = arith.extui %sign3A_360 : i1 to i32
        %sign3A_362 = arith.subi %sign3A_358, %sign3A_361 : i32
        %sign3A_363 = arith.constant 0 : i32
        %sign3A_364 = arith.cmpi sgt, %jit3A_354, %sign3A_363 : i32
        %sign3A_365 = arith.extui %sign3A_364 : i1 to i32
        %sign3A_366 = arith.constant 0 : i32
        %sign3A_367 = arith.cmpi slt, %jit3A_354, %sign3A_366 : i32
        %sign3A_368 = arith.extui %sign3A_367 : i1 to i32
        %sign3A_369 = arith.subi %sign3A_365, %sign3A_368 : i32
        %ne3A_370 = arith.cmpi ne, %sign3A_362, %sign3A_369 : i32
        %rem3A_371 = arith.remsi %add3A_353, %jit3A_354 : i32
        %ne3A_372 = arith.constant 0 : i32
        %ne3A_373 = arith.cmpi ne, %rem3A_371, %ne3A_372 : i32
        %and3A_374 = arith.andi %ne3A_370, %ne3A_373 : i1
        %sub3A_375 = arith.constant 1 : i32
        %sub3A_376 = arith.subi %div3A_355, %sub3A_375 : i32
        %select_n3A_377 = arith.select %and3A_374, %sub3A_376, %div3A_355 : i32
        %dma_start3A_378 = arith.constant 0 : i32
        %dma_start3A_379 = arith.constant 0 : i32
        %dma_start3A_380 = arith.constant 0 : i32
        %dma_start3A_381 = tpu.memref_slice %arg6[%dma_start3A_378, %dma_start3A_379, %dma_start3A_380] : memref<4x128x64xf32, #tpu.memory_space<vmem>> -> memref<1x128x64xf32, #tpu.memory_space<vmem>>
        %dma_start3A_382 = tpu.memref_squeeze %dma_start3A_381 : memref<1x128x64xf32, #tpu.memory_space<vmem>> -> memref<128x64xf32, #tpu.memory_space<vmem>>
        %dma_start3A_383 = arith.constant 0 : i32
        %dma_start3A_384 = tpu.memref_slice %arg5[%select_n3A_377, %dma_start3A_383] : memref<128x200xi32, #tpu.memory_space<vmem>> -> memref<1x128xi32, #tpu.memory_space<vmem>>
        %dma_start3A_385 = tpu.memref_squeeze %dma_start3A_384 : memref<1x128xi32, #tpu.memory_space<vmem>> -> memref<128xi32, #tpu.memory_space<vmem>>
        %dma_start3A_386 = arith.constant 0 : i32
        %dma_start3A_387 = arith.constant 0 : i32
        %dma_start3A_388 = tpu.memref_slice %arg3[%dma_start3A_386, %dma_start3A_387] : memref<1000000x64xf32, #tpu.memory_space<hbm>> -> memref<1000000x64xf32, #tpu.memory_space<hbm>>
        tpu.enqueue_indirect_dma source(%dma_start3A_388 : memref<1000000x64xf32, #tpu.memory_space<hbm>>) target(%dma_start3A_382 : memref<128x64xf32, #tpu.memory_space<vmem>>) offsets(%dma_start3A_385 : memref<128xi32, #tpu.memory_space<vmem>>) semaphore(%arg7 : memref<!tpu.dma_semaphore, #tpu.memory_space<semaphore_mem>>)
      } else {
      }
      %dma_wait3A_217 = arith.constant 0 : i32
      %dma_wait3A_218 = arith.constant 2 : i32
      %dma_wait3A_219 = arith.constant 0 : i32
      %dma_wait3A_220 = arith.constant 0 : i32
      %dma_wait3A_221 = tpu.memref_slice %arg6[%dma_wait3A_218, %dma_wait3A_219, %dma_wait3A_220] : memref<4x128x64xf32, #tpu.memory_space<vmem>> -> memref<1x128x64xf32, #tpu.memory_space<vmem>>
      %dma_wait3A_222 = tpu.memref_squeeze %dma_wait3A_221 : memref<1x128x64xf32, #tpu.memory_space<vmem>> -> memref<128x64xf32, #tpu.memory_space<vmem>>
      %dma_wait3A_223 = arith.constant 0 : i32
      %dma_wait3A_224 = tpu.memref_slice %arg5[%dma_wait3A_217, %dma_wait3A_223] : memref<128x200xi32, #tpu.memory_space<vmem>> -> memref<1x128xi32, #tpu.memory_space<vmem>>
      %dma_wait3A_225 = tpu.memref_squeeze %dma_wait3A_224 : memref<1x128xi32, #tpu.memory_space<vmem>> -> memref<128xi32, #tpu.memory_space<vmem>>
      %dma_wait3A_226 = arith.constant 0 : i32
      %dma_wait3A_227 = arith.constant 0 : i32
      %dma_wait3A_228 = tpu.memref_slice %arg3[%dma_wait3A_226, %dma_wait3A_227] : memref<1000000x64xf32, #tpu.memory_space<hbm>> -> memref<1000000x64xf32, #tpu.memory_space<hbm>>
      tpu.wait_indirect_dma semaphore(%arg9 : memref<!tpu.dma_semaphore, #tpu.memory_space<semaphore_mem>>) src(%dma_wait3A_228 : memref<1000000x64xf32, #tpu.memory_space<hbm>>) dst(%dma_wait3A_222 : memref<128x64xf32, #tpu.memory_space<vmem>>)
      %jit3A_229 = arith.constant 2 : i32
      %div3A_230 = arith.divsi %add3A_194, %jit3A_229 : i32
      %sign3A_231 = arith.constant 0 : i32
      %sign3A_232 = arith.cmpi sgt, %add3A_194, %sign3A_231 : i32
      %sign3A_233 = arith.extui %sign3A_232 : i1 to i32
      %sign3A_234 = arith.constant 0 : i32
      %sign3A_235 = arith.cmpi slt, %add3A_194, %sign3A_234 : i32
      %sign3A_236 = arith.extui %sign3A_235 : i1 to i32
      %sign3A_237 = arith.subi %sign3A_233, %sign3A_236 : i32
      %sign3A_238 = arith.constant 0 : i32
      %sign3A_239 = arith.cmpi sgt, %jit3A_229, %sign3A_238 : i32
      %sign3A_240 = arith.extui %sign3A_239 : i1 to i32
      %sign3A_241 = arith.constant 0 : i32
      %sign3A_242 = arith.cmpi slt, %jit3A_229, %sign3A_241 : i32
      %sign3A_243 = arith.extui %sign3A_242 : i1 to i32
      %sign3A_244 = arith.subi %sign3A_240, %sign3A_243 : i32
      %ne3A_245 = arith.cmpi ne, %sign3A_237, %sign3A_244 : i32
      %rem3A_246 = arith.remsi %add3A_194, %jit3A_229 : i32
      %ne3A_247 = arith.constant 0 : i32
      %ne3A_248 = arith.cmpi ne, %rem3A_246, %ne3A_247 : i32
      %and3A_249 = arith.andi %ne3A_245, %ne3A_248 : i1
      %sub3A_250 = arith.constant 1 : i32
      %sub3A_251 = arith.subi %div3A_230, %sub3A_250 : i32
      %select_n3A_252 = arith.select %and3A_249, %sub3A_251, %div3A_230 : i32
      %add3A_253 = arith.addi %mul3A_2, %select_n3A_252 : i32
      %dma_start3A_254 = arith.constant 2 : i32
      %dma_start3A_255 = arith.constant 0 : i32
      %dma_start3A_256 = arith.constant 0 : i32
      %dma_start3A_257 = tpu.memref_slice %arg6[%dma_start3A_254, %dma_start3A_255, %dma_start3A_256] : memref<4x128x64xf32, #tpu.memory_space<vmem>> -> memref<1x128x64xf32, #tpu.memory_space<vmem>>
      %dma_start3A_258 = tpu.memref_squeeze %dma_start3A_257 : memref<1x128x64xf32, #tpu.memory_space<vmem>> -> memref<128x64xf32, #tpu.memory_space<vmem>>
      %dma_start3A_259 = arith.constant 0 : i32
      %dma_start3A_260 = arith.constant 0 : i32
      %dma_start3A_261 = tpu.memref_slice %arg4[%add3A_253, %dma_start3A_259, %dma_start3A_260] : memref<4096x200x64xf32, #tpu.memory_space<hbm>> -> memref<1x128x64xf32, #tpu.memory_space<hbm>>
      %dma_start3A_262 = tpu.memref_squeeze %dma_start3A_261 : memref<1x128x64xf32, #tpu.memory_space<hbm>> -> memref<128x64xf32, #tpu.memory_space<hbm>>
      %dma_start3A_263 = arith.constant 0 : i32
      %dma_start3A_264 = arith.constant 0 : i32
      %dma_start3A_265 = tpu.memref_slice %arg4[%add3A_253, %dma_start3A_263, %dma_start3A_264] : memref<4096x200x64xf32, #tpu.memory_space<hbm>> -> memref<1x128x64xf32, #tpu.memory_space<hbm>>
      %dma_start3A_266 = tpu.memref_squeeze %dma_start3A_265 : memref<1x128x64xf32, #tpu.memory_space<hbm>> -> memref<128x64xf32, #tpu.memory_space<hbm>>
      %dma_start3A_267 = arith.constant 0 : i32
      %dma_start3A_268 = arith.constant 0 : i32
      %dma_start3A_269 = tpu.memref_slice %arg6[%dma_start3A_254, %dma_start3A_267, %dma_start3A_268] : memref<4x128x64xf32, #tpu.memory_space<vmem>> -> memref<1x128x64xf32, #tpu.memory_space<vmem>>
      %dma_start3A_270 = tpu.memref_squeeze %dma_start3A_269 : memref<1x128x64xf32, #tpu.memory_space<vmem>> -> memref<128x64xf32, #tpu.memory_space<vmem>>
      tpu.enqueue_dma source(%dma_start3A_270 : memref<128x64xf32, #tpu.memory_space<vmem>>) target(%dma_start3A_266 : memref<128x64xf32, #tpu.memory_space<hbm>>) target_semaphore(%arg13 : memref<!tpu.dma_semaphore, #tpu.memory_space<semaphore_mem>>)
      %mul3A_271 = arith.constant 4 : i32
      %mul3A_272 = arith.muli %scan3A_66, %mul3A_271 : i32
      %add3A_273 = arith.constant 3 : i32
      %add3A_274 = arith.addi %mul3A_272, %add3A_273 : i32
      %dma_wait3A_275 = arith.constant 1 : i32
      %dma_wait3A_276 = arith.constant 0 : i32
      %dma_wait3A_277 = arith.constant 0 : i32
      %dma_wait3A_278 = arith.constant 0 : i32
      %dma_wait3A_279 = tpu.memref_slice %arg6[%dma_wait3A_275, %dma_wait3A_277, %dma_wait3A_278] : memref<4x128x64xf32, #tpu.memory_space<vmem>> -> memref<1x72x64xf32, #tpu.memory_space<vmem>>
      %dma_wait3A_280 = tpu.memref_squeeze %dma_wait3A_279 : memref<1x72x64xf32, #tpu.memory_space<vmem>> -> memref<72x64xf32, #tpu.memory_space<vmem>>
      %dma_wait3A_281 = arith.constant 128 : i32
      %dma_wait3A_282 = arith.constant 0 : i32
      %dma_wait3A_283 = tpu.memref_slice %arg4[%dma_wait3A_276, %dma_wait3A_281, %dma_wait3A_282] : memref<4096x200x64xf32, #tpu.memory_space<hbm>> -> memref<1x72x64xf32, #tpu.memory_space<hbm>>
      %dma_wait3A_284 = tpu.memref_squeeze %dma_wait3A_283 : memref<1x72x64xf32, #tpu.memory_space<hbm>> -> memref<72x64xf32, #tpu.memory_space<hbm>>
      %dma_wait3A_285 = arith.constant 128 : i32
      %dma_wait3A_286 = arith.constant 0 : i32
      %dma_wait3A_287 = tpu.memref_slice %arg4[%dma_wait3A_276, %dma_wait3A_285, %dma_wait3A_286] : memref<4096x200x64xf32, #tpu.memory_space<hbm>> -> memref<1x72x64xf32, #tpu.memory_space<hbm>>
      %dma_wait3A_288 = tpu.memref_squeeze %dma_wait3A_287 : memref<1x72x64xf32, #tpu.memory_space<hbm>> -> memref<72x64xf32, #tpu.memory_space<hbm>>
      %dma_wait3A_289 = arith.constant 0 : i32
      %dma_wait3A_290 = arith.constant 0 : i32
      %dma_wait3A_291 = tpu.memref_slice %arg6[%dma_wait3A_275, %dma_wait3A_289, %dma_wait3A_290] : memref<4x128x64xf32, #tpu.memory_space<vmem>> -> memref<1x72x64xf32, #tpu.memory_space<vmem>>
      %dma_wait3A_292 = tpu.memref_squeeze %dma_wait3A_291 : memref<1x72x64xf32, #tpu.memory_space<vmem>> -> memref<72x64xf32, #tpu.memory_space<vmem>>
      tpu.wait_dma2 semaphore(%arg12 : memref<!tpu.dma_semaphore, #tpu.memory_space<semaphore_mem>>) src(%dma_wait3A_292 : memref<72x64xf32, #tpu.memory_space<vmem>>) dst(%dma_wait3A_288 : memref<72x64xf32, #tpu.memory_space<hbm>>)
      %lt3A_293 = arith.constant 63 : i32
      %lt3A_294 = arith.cmpi slt, %scan3A_66, %lt3A_293 : i32
      %convert_element_type3A_295 = arith.extui %lt3A_294 : i1 to i32
      %cond3A_296 = arith.constant 0 : i32
      %cond3A_297 = arith.cmpi ne, %convert_element_type3A_295, %cond3A_296 : i32
      scf.if %cond3A_297 {
        %add3A_352 = arith.constant 2 : i32
        %add3A_353 = arith.addi %add3A_274, %add3A_352 : i32
        %jit3A_354 = arith.constant 2 : i32
        %div3A_355 = arith.divsi %add3A_353, %jit3A_354 : i32
        %sign3A_356 = arith.constant 0 : i32
        %sign3A_357 = arith.cmpi sgt, %add3A_353, %sign3A_356 : i32
        %sign3A_358 = arith.extui %sign3A_357 : i1 to i32
        %sign3A_359 = arith.constant 0 : i32
        %sign3A_360 = arith.cmpi slt, %add3A_353, %sign3A_359 : i32
        %sign3A_361 = arith.extui %sign3A_360 : i1 to i32
        %sign3A_362 = arith.subi %sign3A_358, %sign3A_361 : i32
        %sign3A_363 = arith.constant 0 : i32
        %sign3A_364 = arith.cmpi sgt, %jit3A_354, %sign3A_363 : i32
        %sign3A_365 = arith.extui %sign3A_364 : i1 to i32
        %sign3A_366 = arith.constant 0 : i32
        %sign3A_367 = arith.cmpi slt, %jit3A_354, %sign3A_366 : i32
        %sign3A_368 = arith.extui %sign3A_367 : i1 to i32
        %sign3A_369 = arith.subi %sign3A_365, %sign3A_368 : i32
        %ne3A_370 = arith.cmpi ne, %sign3A_362, %sign3A_369 : i32
        %rem3A_371 = arith.remsi %add3A_353, %jit3A_354 : i32
        %ne3A_372 = arith.constant 0 : i32
        %ne3A_373 = arith.cmpi ne, %rem3A_371, %ne3A_372 : i32
        %and3A_374 = arith.andi %ne3A_370, %ne3A_373 : i1
        %sub3A_375 = arith.constant 1 : i32
        %sub3A_376 = arith.subi %div3A_355, %sub3A_375 : i32
        %select_n3A_377 = arith.select %and3A_374, %sub3A_376, %div3A_355 : i32
        %dma_start3A_378 = arith.constant 1 : i32
        %dma_start3A_379 = arith.constant 0 : i32
        %dma_start3A_380 = arith.constant 0 : i32
        %dma_start3A_381 = tpu.memref_slice %arg6[%dma_start3A_378, %dma_start3A_379, %dma_start3A_380] : memref<4x128x64xf32, #tpu.memory_space<vmem>> -> memref<1x72x64xf32, #tpu.memory_space<vmem>>
        %dma_start3A_382 = tpu.memref_squeeze %dma_start3A_381 : memref<1x72x64xf32, #tpu.memory_space<vmem>> -> memref<72x64xf32, #tpu.memory_space<vmem>>
        %dma_start3A_383 = arith.constant 128 : i32
        %dma_start3A_384 = tpu.memref_slice %arg5[%select_n3A_377, %dma_start3A_383] : memref<128x200xi32, #tpu.memory_space<vmem>> -> memref<1x72xi32, #tpu.memory_space<vmem>>
        %dma_start3A_385 = tpu.memref_squeeze %dma_start3A_384 : memref<1x72xi32, #tpu.memory_space<vmem>> -> memref<72xi32, #tpu.memory_space<vmem>>
        %dma_start3A_386 = arith.constant 0 : i32
        %dma_start3A_387 = arith.constant 0 : i32
        %dma_start3A_388 = tpu.memref_slice %arg3[%dma_start3A_386, %dma_start3A_387] : memref<1000000x64xf32, #tpu.memory_space<hbm>> -> memref<1000000x64xf32, #tpu.memory_space<hbm>>
        tpu.enqueue_indirect_dma source(%dma_start3A_388 : memref<1000000x64xf32, #tpu.memory_space<hbm>>) target(%dma_start3A_382 : memref<72x64xf32, #tpu.memory_space<vmem>>) offsets(%dma_start3A_385 : memref<72xi32, #tpu.memory_space<vmem>>) semaphore(%arg8 : memref<!tpu.dma_semaphore, #tpu.memory_space<semaphore_mem>>)
      } else {
      }
      %dma_wait3A_298 = arith.constant 0 : i32
      %dma_wait3A_299 = arith.constant 3 : i32
      %dma_wait3A_300 = arith.constant 0 : i32
      %dma_wait3A_301 = arith.constant 0 : i32
      %dma_wait3A_302 = tpu.memref_slice %arg6[%dma_wait3A_299, %dma_wait3A_300, %dma_wait3A_301] : memref<4x128x64xf32, #tpu.memory_space<vmem>> -> memref<1x72x64xf32, #tpu.memory_space<vmem>>
      %dma_wait3A_303 = tpu.memref_squeeze %dma_wait3A_302 : memref<1x72x64xf32, #tpu.memory_space<vmem>> -> memref<72x64xf32, #tpu.memory_space<vmem>>
      %dma_wait3A_304 = arith.constant 128 : i32
      %dma_wait3A_305 = tpu.memref_slice %arg5[%dma_wait3A_298, %dma_wait3A_304] : memref<128x200xi32, #tpu.memory_space<vmem>> -> memref<1x72xi32, #tpu.memory_space<vmem>>
      %dma_wait3A_306 = tpu.memref_squeeze %dma_wait3A_305 : memref<1x72xi32, #tpu.memory_space<vmem>> -> memref<72xi32, #tpu.memory_space<vmem>>
      %dma_wait3A_307 = arith.constant 0 : i32
      %dma_wait3A_308 = arith.constant 0 : i32
      %dma_wait3A_309 = tpu.memref_slice %arg3[%dma_wait3A_307, %dma_wait3A_308] : memref<1000000x64xf32, #tpu.memory_space<hbm>> -> memref<1000000x64xf32, #tpu.memory_space<hbm>>
      tpu.wait_indirect_dma semaphore(%arg10 : memref<!tpu.dma_semaphore, #tpu.memory_space<semaphore_mem>>) src(%dma_wait3A_309 : memref<1000000x64xf32, #tpu.memory_space<hbm>>) dst(%dma_wait3A_303 : memref<72x64xf32, #tpu.memory_space<vmem>>)
      %jit3A_310 = arith.constant 2 : i32
      %div3A_311 = arith.divsi %add3A_274, %jit3A_310 : i32
      %sign3A_312 = arith.constant 0 : i32
      %sign3A_313 = arith.cmpi sgt, %add3A_274, %sign3A_312 : i32
      %sign3A_314 = arith.extui %sign3A_313 : i1 to i32
      %sign3A_315 = arith.constant 0 : i32
      %sign3A_316 = arith.cmpi slt, %add3A_274, %sign3A_315 : i32
      %sign3A_317 = arith.extui %sign3A_316 : i1 to i32
      %sign3A_318 = arith.subi %sign3A_314, %sign3A_317 : i32
      %sign3A_319 = arith.constant 0 : i32
      %sign3A_320 = arith.cmpi sgt, %jit3A_310, %sign3A_319 : i32
      %sign3A_321 = arith.extui %sign3A_320 : i1 to i32
      %sign3A_322 = arith.constant 0 : i32
      %sign3A_323 = arith.cmpi slt, %jit3A_310, %sign3A_322 : i32
      %sign3A_324 = arith.extui %sign3A_323 : i1 to i32
      %sign3A_325 = arith.subi %sign3A_321, %sign3A_324 : i32
      %ne3A_326 = arith.cmpi ne, %sign3A_318, %sign3A_325 : i32
      %rem3A_327 = arith.remsi %add3A_274, %jit3A_310 : i32
      %ne3A_328 = arith.constant 0 : i32
      %ne3A_329 = arith.cmpi ne, %rem3A_327, %ne3A_328 : i32
      %and3A_330 = arith.andi %ne3A_326, %ne3A_329 : i1
      %sub3A_331 = arith.constant 1 : i32
      %sub3A_332 = arith.subi %div3A_311, %sub3A_331 : i32
      %select_n3A_333 = arith.select %and3A_330, %sub3A_332, %div3A_311 : i32
      %add3A_334 = arith.addi %mul3A_2, %select_n3A_333 : i32
      %dma_start3A_335 = arith.constant 3 : i32
      %dma_start3A_336 = arith.constant 0 : i32
      %dma_start3A_337 = arith.constant 0 : i32
      %dma_start3A_338 = tpu.memref_slice %arg6[%dma_start3A_335, %dma_start3A_336, %dma_start3A_337] : memref<4x128x64xf32, #tpu.memory_space<vmem>> -> memref<1x72x64xf32, #tpu.memory_space<vmem>>
      %dma_start3A_339 = tpu.memref_squeeze %dma_start3A_338 : memref<1x72x64xf32, #tpu.memory_space<vmem>> -> memref<72x64xf32, #tpu.memory_space<vmem>>
      %dma_start3A_340 = arith.constant 128 : i32
      %dma_start3A_341 = arith.constant 0 : i32
      %dma_start3A_342 = tpu.memref_slice %arg4[%add3A_334, %dma_start3A_340, %dma_start3A_341] : memref<4096x200x64xf32, #tpu.memory_space<hbm>> -> memref<1x72x64xf32, #tpu.memory_space<hbm>>
      %dma_start3A_343 = tpu.memref_squeeze %dma_start3A_342 : memref<1x72x64xf32, #tpu.memory_space<hbm>> -> memref<72x64xf32, #tpu.memory_space<hbm>>
      %dma_start3A_344 = arith.constant 128 : i32
      %dma_start3A_345 = arith.constant 0 : i32
      %dma_start3A_346 = tpu.memref_slice %arg4[%add3A_334, %dma_start3A_344, %dma_start3A_345] : memref<4096x200x64xf32, #tpu.memory_space<hbm>> -> memref<1x72x64xf32, #tpu.memory_space<hbm>>
      %dma_start3A_347 = tpu.memref_squeeze %dma_start3A_346 : memref<1x72x64xf32, #tpu.memory_space<hbm>> -> memref<72x64xf32, #tpu.memory_space<hbm>>
      %dma_start3A_348 = arith.constant 0 : i32
      %dma_start3A_349 = arith.constant 0 : i32
      %dma_start3A_350 = tpu.memref_slice %arg6[%dma_start3A_335, %dma_start3A_348, %dma_start3A_349] : memref<4x128x64xf32, #tpu.memory_space<vmem>> -> memref<1x72x64xf32, #tpu.memory_space<vmem>>
      %dma_start3A_351 = tpu.memref_squeeze %dma_start3A_350 : memref<1x72x64xf32, #tpu.memory_space<vmem>> -> memref<72x64xf32, #tpu.memory_space<vmem>>
      tpu.enqueue_dma source(%dma_start3A_351 : memref<72x64xf32, #tpu.memory_space<vmem>>) target(%dma_start3A_347 : memref<72x64xf32, #tpu.memory_space<hbm>>) target_semaphore(%arg14 : memref<!tpu.dma_semaphore, #tpu.memory_space<semaphore_mem>>)
    }
    %scan3A_30 = arith.constant 64 : i32
    %dma_wait3A = arith.constant 2 : i32
    %dma_wait3A_31 = arith.constant 0 : i32
    %dma_wait3A_32 = arith.constant 0 : i32
    %dma_wait3A_33 = arith.constant 0 : i32
    %dma_wait3A_34 = tpu.memref_slice %arg6[%dma_wait3A, %dma_wait3A_32, %dma_wait3A_33] : memref<4x128x64xf32, #tpu.memory_space<vmem>> -> memref<1x128x64xf32, #tpu.memory_space<vmem>>
    %dma_wait3A_35 = tpu.memref_squeeze %dma_wait3A_34 : memref<1x128x64xf32, #tpu.memory_space<vmem>> -> memref<128x64xf32, #tpu.memory_space<vmem>>
    %dma_wait3A_36 = arith.constant 0 : i32
    %dma_wait3A_37 = arith.constant 0 : i32
    %dma_wait3A_38 = tpu.memref_slice %arg4[%dma_wait3A_31, %dma_wait3A_36, %dma_wait3A_37] : memref<4096x200x64xf32, #tpu.memory_space<hbm>> -> memref<1x128x64xf32, #tpu.memory_space<hbm>>
    %dma_wait3A_39 = tpu.memref_squeeze %dma_wait3A_38 : memref<1x128x64xf32, #tpu.memory_space<hbm>> -> memref<128x64xf32, #tpu.memory_space<hbm>>
    %dma_wait3A_40 = arith.constant 0 : i32
    %dma_wait3A_41 = arith.constant 0 : i32
    %dma_wait3A_42 = tpu.memref_slice %arg4[%dma_wait3A_31, %dma_wait3A_40, %dma_wait3A_41] : memref<4096x200x64xf32, #tpu.memory_space<hbm>> -> memref<1x128x64xf32, #tpu.memory_space<hbm>>
    %dma_wait3A_43 = tpu.memref_squeeze %dma_wait3A_42 : memref<1x128x64xf32, #tpu.memory_space<hbm>> -> memref<128x64xf32, #tpu.memory_space<hbm>>
    %dma_wait3A_44 = arith.constant 0 : i32
    %dma_wait3A_45 = arith.constant 0 : i32
    %dma_wait3A_46 = tpu.memref_slice %arg6[%dma_wait3A, %dma_wait3A_44, %dma_wait3A_45] : memref<4x128x64xf32, #tpu.memory_space<vmem>> -> memref<1x128x64xf32, #tpu.memory_space<vmem>>
    %dma_wait3A_47 = tpu.memref_squeeze %dma_wait3A_46 : memref<1x128x64xf32, #tpu.memory_space<vmem>> -> memref<128x64xf32, #tpu.memory_space<vmem>>
    tpu.wait_dma2 semaphore(%arg13 : memref<!tpu.dma_semaphore, #tpu.memory_space<semaphore_mem>>) src(%dma_wait3A_47 : memref<128x64xf32, #tpu.memory_space<vmem>>) dst(%dma_wait3A_43 : memref<128x64xf32, #tpu.memory_space<hbm>>)
    %dma_wait3A_48 = arith.constant 3 : i32
    %dma_wait3A_49 = arith.constant 0 : i32
    %dma_wait3A_50 = arith.constant 0 : i32
    %dma_wait3A_51 = arith.constant 0 : i32
    %dma_wait3A_52 = tpu.memref_slice %arg6[%dma_wait3A_48, %dma_wait3A_50, %dma_wait3A_51] : memref<4x128x64xf32, #tpu.memory_space<vmem>> -> memref<1x72x64xf32, #tpu.memory_space<vmem>>
    %dma_wait3A_53 = tpu.memref_squeeze %dma_wait3A_52 : memref<1x72x64xf32, #tpu.memory_space<vmem>> -> memref<72x64xf32, #tpu.memory_space<vmem>>
    %dma_wait3A_54 = arith.constant 128 : i32
    %dma_wait3A_55 = arith.constant 0 : i32
    %dma_wait3A_56 = tpu.memref_slice %arg4[%dma_wait3A_49, %dma_wait3A_54, %dma_wait3A_55] : memref<4096x200x64xf32, #tpu.memory_space<hbm>> -> memref<1x72x64xf32, #tpu.memory_space<hbm>>
    %dma_wait3A_57 = tpu.memref_squeeze %dma_wait3A_56 : memref<1x72x64xf32, #tpu.memory_space<hbm>> -> memref<72x64xf32, #tpu.memory_space<hbm>>
    %dma_wait3A_58 = arith.constant 128 : i32
    %dma_wait3A_59 = arith.constant 0 : i32
    %dma_wait3A_60 = tpu.memref_slice %arg4[%dma_wait3A_49, %dma_wait3A_58, %dma_wait3A_59] : memref<4096x200x64xf32, #tpu.memory_space<hbm>> -> memref<1x72x64xf32, #tpu.memory_space<hbm>>
    %dma_wait3A_61 = tpu.memref_squeeze %dma_wait3A_60 : memref<1x72x64xf32, #tpu.memory_space<hbm>> -> memref<72x64xf32, #tpu.memory_space<hbm>>
    %dma_wait3A_62 = arith.constant 0 : i32
    %dma_wait3A_63 = arith.constant 0 : i32
    %dma_wait3A_64 = tpu.memref_slice %arg6[%dma_wait3A_48, %dma_wait3A_62, %dma_wait3A_63] : memref<4x128x64xf32, #tpu.memory_space<vmem>> -> memref<1x72x64xf32, #tpu.memory_space<vmem>>
    %dma_wait3A_65 = tpu.memref_squeeze %dma_wait3A_64 : memref<1x72x64xf32, #tpu.memory_space<vmem>> -> memref<72x64xf32, #tpu.memory_space<vmem>>
    tpu.wait_dma2 semaphore(%arg14 : memref<!tpu.dma_semaphore, #tpu.memory_space<semaphore_mem>>) src(%dma_wait3A_65 : memref<72x64xf32, #tpu.memory_space<vmem>>) dst(%dma_wait3A_61 : memref<72x64xf32, #tpu.memory_space<hbm>>)
    return
  }
}

</mosaic_0001>

<sc_bundles>
// kernel: kernel.3.cloned.1.call-start
scs
__scs_entry_jumppad:
0x0: {  	(pc) =	sbr.rel $0x88, $3  }
0x1: {  	(tag) =	ssettag $0x0;
	lr =	simm.s32 $0x1  }
0x2: {  	[smem:$0x3F9F] =	sst lr;
	_ =	strace $0xD0000000  }
0x3: {  	_ = 	snop  }
0x4: {  	_ = 	snop  }
0x5: {  	_ = 	snop  }
0x6: {  	_ = 	snop  }
0x7: {  	_ = 	snop  }
__scs_overlays_trampoline_lowered:
0x8: {  	[smem:$0x3FAE] =	sst s0  }
0x9: {  	[smem:$0x3FAF] =	sst s1  }
0xa: {  	[smem:$0x3FB0] =	sst s2  }
0xb: {  	[smem:$0x3FB1] =	sst s3  }
0xc: {  	[smem:$0x3FB2] =	sst s4  }
0xd: {  	[smem:$0x3FB3] =	sst s5  }
0xe: {  	[smem:$0x3FB4] =	sst s6  }
0xf: {  	[smem:$0x3FB5] =	sst s7  }
0x10: {  	[smem:$0x3FB6] =	sst s8  }
0x11: {  	[smem:$0x3FB7] =	sst s9;
	s0 =	simm.s32 @!p0 $0x0  }
0x12: {  	s1 =	sld [smem:$0x3F9D];
	s0 =	simm.s32 @p0 $0x1  }
0x13: {  	[smem:$0x3FB8] =	sst s0;
	s0 =	simm.s32 @!p1 $0x0  }
0x14: {  	s2 =	sld [smem:$0x3F9C];
	s0 =	simm.s32 @p1 $0x1  }
0x15: {  	[smem:$0x3FB9] =	sst s0;
	s0 =	simm.s32 @!p2 $0x0  }
0x16: {  	s3 =	sld [smem:$0x3FDB];
	s0 =	simm.s32 @p2 $0x1  }
0x17: {  	s4 =	simm.s32 $0x1BF5;
	[smem:$0x3FBB] =	sst s0  }
0x18: {  	s0 =	sld [smem:$0x3F9E];
	_ =	swait.ge [sflag:s4], $0x0  }
0x19: {  	s7 =	sld [smem:$0x3F9F]  }
0x1a: {  	s8 =	sadd.s32 $0xFFFFE003, lr  }
0x1b: {  	s9 =	sadd.s32 $0xFFFFFEF7, lr;
	s5 =	simm.s32 $0xFFFFFFFF;
	p2 =	slt.u32 s8, $0xFFFFF086  }
0x1c: {  	p1 =	slt.u32 s9, $0xF7A;
	s5 =	simm.s32 @!p2 $0x0  }
0x1d: {  	s5 =	simm.s32 @p1 $0x1;
	p0 =	seq.s32 s7, s2  }
0x1e: {  	s7 =	smul.u32 @!p0 $0xF7A, s2;
	p2 =	seq.s32 @!p0 s5, $0x0  }
0x1f: {  	s9 =	smul.u32 $0xF7A, s1;
	s8 =	simm.s32 @!p0 $0x1BF5;
	p2 =	por !p2, p0  }
0x20: {  	[sflag:s8] =	ssyncset.s32 @!p0 $0xFFFFF086;
	s6 =	sadd.s32 @!p0 s3, s7;
	s7 =	simm.s32 @!p0 $0x108  }
0x21: {  	s3 =	sadd.s32 s3, s9;
	s6 =	sadd.s32 @!p0 $0x88, s6;
	s7 =	simm.s32 @p2 $0x1082  }
0x22: {  	[simem:s7], [sflag:s8] =	dma.local @!p0 [hbm:s6], $0xF7A  }
0x23: {  	s9 =	sor.u32 $0xD0000000, s2;
	s6 =	simm.s32 $0x108;
	_ =	swait.ge @!p0 [sflag:s8], $0x0  }
0x24: {  	s3 =	sadd.s32 $0x88, s3;
	s6 =	simm.s32 @!p1 $0x1082;
	[sflag:s4] =	ssyncset.s32 $0xFFFFF086  }
0x25: {  	[simem:s6], [sflag:s4] =	dma.local [hbm:s3], $0xF7A  }
0x26: {  	[smem:$0x3F9F] =	sst s1;
	(tag) =	ssettag s2;
	_ =	strace s9  }
0x27: {  	s1 =	sld [smem:$0x3FAF]  }
0x28: {  	s2 =	sld [smem:$0x3FB0]  }
0x29: {  	s4 =	sld [smem:$0x3FB2]  }
0x2a: {  	p0 =	seq.s32 s5, $0x0;
	s5 =	sld [smem:$0x3FB3]  }
0x2b: {  	s6 =	sld [smem:$0x3FB4]  }
0x2c: {  	s7 =	sld [smem:$0x3FB5]  }
0x2d: {  	s3 =	simm.s32 $0x108;
	s8 =	sld [smem:$0x3FB6]  }
0x2e: {  	s3 =	simm.s32 @!p0 $0x1082;
	s9 =	sld [smem:$0x3FB7]  }
0x2f: {  	lr =	sadd.s32 s0, s3;
	s0 =	sld [smem:$0x3FAE]  }
0x30: {  	s3 =	sld [smem:$0x3FB1]  }
0x31: {  	[smem:$0x3FBA] =	sst s10  }
0x32: {  	s10 =	sld [smem:$0x3FB8];
	_ =	sdelay $0x3  }
0x33: {  	p0 =	seq.s32 s10, $0x1;
	s10 =	sld [smem:$0x3FBA];
	_ =	sdelay $0x3  }
0x34: {  	[smem:$0x3FBA] =	sst s10  }
0x35: {  	s10 =	sld [smem:$0x3FB9];
	_ =	sdelay $0x3  }
0x36: {  	p1 =	seq.s32 s10, $0x1;
	s10 =	sld [smem:$0x3FBA];
	_ =	sdelay $0x3  }
0x37: {  	[smem:$0x3FBA] =	sst s10  }
0x38: {  	s10 =	sld [smem:$0x3FBB]  }
0x39: {  	_ = 	snop;
	(pc) =	sbr.ind lr, $3  }
0x3a: {  	_ = 	snop  }
0x3b: {  	_ = 	snop  }
0x3c: {  	p2 =	seq.s32 s10, $0x1;
	s10 =	sld [smem:$0x3FBA]  }
0x3d: {  	_ =	shalt  }
0x3e: {  	_ =	shalt  }
0x3f: {  	_ =	shalt  }
0x40: {  	_ =	shalt  }
0x41: {  	_ =	shalt  }
0x42: {  	_ =	shalt  }
0x43: {  	_ =	shalt  }
0x44: {  	_ =	shalt  }
0x45: {  	_ =	shalt  }
0x46: {  	_ =	shalt  }
0x47: {  	_ =	shalt  }
0x48: {  	_ =	shalt  }
0x49: {  	_ =	shalt  }
0x4a: {  	_ =	shalt  }
0x4b: {  	_ =	shalt  }
0x4c: {  	_ =	shalt  }
0x4d: {  	_ =	shalt  }
0x4e: {  	_ =	shalt  }
0x4f: {  	_ =	shalt  }
0x50: {  	_ =	shalt  }
0x51: {  	_ =	shalt  }
0x52: {  	_ =	shalt  }
0x53: {  	_ =	shalt  }
0x54: {  	_ =	shalt  }
0x55: {  	_ =	shalt  }
0x56: {  	_ =	shalt  }
0x57: {  	_ =	shalt  }
0x58: {  	_ =	shalt  }
0x59: {  	_ =	shalt  }
0x5a: {  	_ =	shalt  }
0x5b: {  	_ =	shalt  }
0x5c: {  	_ =	shalt  }
0x5d: {  	_ =	shalt  }
0x5e: {  	_ =	shalt  }
0x5f: {  	_ =	shalt  }
0x60: {  	_ =	shalt  }
0x61: {  	_ =	shalt  }
0x62: {  	_ =	shalt  }
0x63: {  	_ =	shalt  }
0x64: {  	_ =	shalt  }
0x65: {  	_ =	shalt  }
0x66: {  	_ =	shalt  }
0x67: {  	_ =	shalt  }
0x68: {  	_ =	shalt  }
0x69: {  	_ =	shalt  }
0x6a: {  	_ =	shalt  }
0x6b: {  	_ =	shalt  }
0x6c: {  	_ =	shalt  }
0x6d: {  	_ =	shalt  }
0x6e: {  	_ =	shalt  }
0x6f: {  	_ =	shalt  }
0x70: {  	_ =	shalt  }
0x71: {  	_ =	shalt  }
0x72: {  	_ =	shalt  }
0x73: {  	_ =	shalt  }
0x74: {  	_ =	shalt  }
0x75: {  	_ =	shalt  }
0x76: {  	_ =	shalt  }
0x77: {  	_ =	shalt  }
0x78: {  	_ =	shalt  }
0x79: {  	_ =	shalt  }
0x7a: {  	_ =	shalt  }
0x7b: {  	_ =	shalt  }
0x7c: {  	_ =	shalt  }
0x7d: {  	_ =	shalt  }
0x7e: {  	_ =	shalt  }
0x7f: {  	_ =	shalt  }
0x80: {  	_ =	shalt  }
0x81: {  	_ =	shalt  }
0x82: {  	_ =	shalt  }
0x83: {  	_ =	shalt  }
0x84: {  	_ =	shalt  }
0x85: {  	_ =	shalt  }
0x86: {  	_ =	shalt  }
0x87: {  	_ =	shalt  }
.Lfunc_end0:
.L_simem_size_0:
called_computation.1_lowered:
.L_overlay_start_0:
0x88: {  	s2 =	sld [smem:$0x3FD9]  }
0x89: {  	s3 =	sld [smem:$0x3FFE];
	_ =	sdelay $0x1  }
0x8a: {  	s1 =	srdreg.scid  }
0x8b: {  	s0 =	sand.u32 $0x1, s1  }
0x8c: {  	s17 =	sshll.u32 s0, $0xA;
	s2 =	sadd.s32 s3, s2  }
0x8d: {  	s2 =	sadd.s32 s2, s17  }
0x8e: {  	[smem:$0x3FC6] =	sst s2  }
0x8f: {  	_ = 	snop  }
0x90: {  	s2 =	sld [smem:$0x3FD0];
	(tm) =	ssettm $0x1  }
0x91: {  	s18 =	sld [smem:$0x3FFB];
	_ =	sdelay $0x3  }
0x92: {  	_ =	strace s18  }
0x93: {  	s3 =	sld [smem:$0x3FFC];
	_ =	sdelay $0x3  }
0x94: {  	_ =	strace s3  }
0x95: {  	s3 =	sld [smem:$0x3FFD];
	_ =	sdelay $0x3  }
0x96: {  	_ =	strace s3  }
0x97: {  	_ =	strace $0x8FFFFFFF  }
0x98: {  	s19 =	sld [smem:$0x3FDB];
	_ =	sdelay $0x1  }
0x99: {  	s4 =	simm.s32 $_scs_section_size  }
0x9a: {  	s5 =	simm.s32 $_size__tile_overlayer_lowered;
	s6 =	simm.s32 $_tile_overlayer_lowered  }
0x9b: {  	s22 =	simm.s32 $0x1BFF;
	s21 =	sshll.u32 s6, $0x1;
	s3 =	sadd.s32 s4, s19  }
0x9c: {  	s7 =	simm.s32 $0x0;
	s20 =	sshll.u32 s5, $0x1;
	s5 =	sadd.s32 s21, s3  }
0x9d: {  	[timem:s7], [sflag:s22] =	dma.local [hbm:s5], s20  }
0x9e: {  	_ =	swait.ge [sflag:s22], s20  }
0x9f: {  	s4 =	ssub.s32 $0x0, s20;
	[sflag:s22] =	ssyncset.done $0x0  }
0xa0: {  	[sflag:s22] =	ssyncadd.s32 s4;
	_ =	sdelay $0x1  }
0xa1: {  	s23 =	simm.s32 $0x1B8B  }
0xa2: {  	_ =	swait.ge [sflag:s23], $0x1  }
0xa3: {  	[sflag:s23] =	ssyncset.done $0x0  }
0xa4: {  	s25 =	simm.s32 $0x1B8E;
	s24 =	sld [smem:$0x3FFE];
	[sflag:s23] =	ssyncadd.s32 $0xFFFFFFFF  }
0xa5: {  	s26 =	simm.s32 $execute0_lowered;
	[smem:$0x3FD2] =	sst s25  }
0xa6: {  	s5 =	sshll.u32 s26, $0x1;
	_ =	strace $0x80000046;
	[dreg:$0x1] =	wrdreg $0xFFFFFFFF  }
0xa7: {  	s28 =	simm.s32 $_size_execute0_lowered;
	s3 =	sadd.s32 s3, s5;
	[dreg:$0x0] =	wrdreg $0x0  }
0xa8: {  	s5 =	sshll.u32 s28, $0x1;
	[dreg:$0x2] =	wrdreg s3  }
0xa9: {  	[dreg:$0x3] =	wrdreg s5  }
0xaa: {  	[dreg:$0x4] =	wrdreg $0xC0  }
0xab: {  	_ =	task [dreg:s7], $0x5FFFF  }
0xac: {  	[dreg:$0x1] =	wrdreg $0xFFFFFFFF  }
0xad: {  	[dreg:$0x0] =	wrdreg $0x60  }
0xae: {  	[dreg:$0x2] =	wrdreg s24  }
0xaf: {  	[dreg:$0x3] =	wrdreg s2  }
0xb0: {  	[dreg:$0x4] =	wrdreg $0x9  }
0xb1: {  	_ =	task.clear_ibuf [dreg:s7], $0x5FFFF;
	_ =	strace $0x90000046  }
0xb2: {  	s29 =	simm.s32 $0x9;
	_ =	strace $0x80000048  }
0xb3: {  	_ =	swait.ge [sflag:s29], $0x1  }
0xb4: {  	[sflag:s29] =	ssyncadd.s32 $0xFFFFFFFF  }
0xb5: {  	_ =	strace $0x90000048  }
0xb6: {  	_ =	sfence  }
0xb7: {  	s30 =	sld [smem:$0x0];
	_ =	sdelay $0x2  }
0xb8: {  	s31 =	sshll.u32 s1, $0xD;
	s1 =	sshrl.u32 s1, $0x2  }
0xb9: {  	s3 =	sand.u32 $0x4000, s31;
	s1 =	sadd.s32 s1, s30  }
0xba: {  	s0 =	sor.u32 s3, s0;
	s1 =	sshll.u32 s1, $0x11  }
0xbb: {  	s0 =	sor.u32 s1, s0  }
0xbc: {  	s0 =	sadd.s32 $0x8F2B, s0  }
0xbd: {  	[sflag:s0] =	ssyncadd.remote.s32 $0x1  }
0xbe: {  	_ =	sfence.sel $0xFFFF  }
0xbf: {  	[dreg:$0x0] =	wrdreg $0xFFFFFFFF;
	(pc) =	sbr.abs _section_cstart, $3  }
0xc0: {  	[dreg:$0x1] =	wrdreg $0xFFFFFFFF  }
0xc1: {  	_ =	task.clear_ibuf [dreg:s7], $0x2FFFF;
	_ =	strace $0x9FFFFFFF  }
0xc2: {  	(tm) =	ssettm $0x7FFFFFFF  }
0xc3: {  	_ =	shalt  }
tec
execute0_lowered:
.L_overlay_start_1:
0x0: {  	(tag) =	ssettag $0x1  }
0x1: {  	s1 =	srdreg.scid;
	s3 =	rddreg [dreg:$0x0]  }
0x2: {  	s0 =	stileid.u32;
	s6 =	rddreg [dreg:$0x1];
	s2 =	simm.s32 $0x0  }
0x3: {  	s12 =	simm.s32 $0xA400;
	s13 =	simm.s32 $0x1;
	s14 =	simm.s32 $0xC400  }
0x4: {  	s15 =	simm.s32 $0x2;
	s16 =	simm.s32 $0x5;
	s17 =	simm.s32 $0x3  }
0x5: {  	s18 =	simm.s32 $0x6;
	s19 =	simm.s32 $0x4;
	s20 =	simm.s32 $0x7  }
0x6: {  	s21 =	simm.s32 $0x8;
	s22 =	simm.s32 $0x0;
	s8 =	smul.u32 $0x320000, s0  }
0x7: {  	s5 =	sand.u32 $0x1, s1;
	s4 =	sshll.u32 s0, $0x8;
	s28 =	smul.u32 $0x64000, s0  }
0x8: {  	[smem:$0x7FF] =	sst s2;
	s7 =	sshll.u32 s5, $0x7;
	s10 =	smul.u32 $0x190000, s5  }
0x9: {  	_ =	strace $0x80000047;
	s26 =	ssub.s32 $0x2, s5;
	s11 =	smul.u32 $0x32000, s5  }
0xa: {  	s4 =	sor.u32 s7, s4;
	s9 =	sshrl.u32 s26, $0x1;
	s29 =	sadd.s32 s28, s6  }
0xb: {  	s4 =	smul.u32 $0x19, s4;
	s7 =	ssub.s32 s26, s9;
	s8 =	sadd.s32 s10, s8  }
0xc: {  	s10 =	simm.s32 $0x48;
	s5 =	smax.u32 s7, $0x1;
	s30 =	sor.u32 $0x5200, s8  }
0xd: {  	s7 =	sadd.s32 s11, s29;
	s8 =	sor.u32 $0x2000, s8;
	s11 =	simm.s32 $0x8400  }
0xe: {  	s4 =	sadd.s32 s4, s3;
	s3 =	sadd.s32 $0xF42E00, s3;
	s9 =	sshrl.u32 s30, $0x3  }
0xf: {  	[dreg:$0x3] =	wrdreg s7;
	s8 =	sshrl.u32 s8, $0x3;
	s7 =	simm.s32 $0x9  }
0x10: {  	s4 =	sadd.s32 $0xA00, s4;
	s31 =	sadd.s32 s9, s6;
	s6 =	sadd.s32 s8, s6  }
0x11: {  	s8 =	simm.s32 $0x80;
	s9 =	simm.s32 $0x6400;
	[dreg:$0x4] =	wrdreg s31  }
.LBB2_1:
0x12: {  	[tilespmem:s2], [sflag:$0x9] =	stream.linear.gather [hbm4b:s4+s2], $0x6400, $0x38;
	[tilespmem:$0xE400] =	vst v63  }
0x13: {  	_ =	swait.ge [sflag:s7], $0x6400  }
0x14: {  	p1 =	por $0x1, $0x1;
	[sflag:s7] =	ssyncset.done $0x0  }
0x15: {  	p0 =	por p1, p1;
	[sflag:s7] =	ssyncadd.s32 $0xFFFF9C00  }
0x16: {  	[tilespmem:s9], [sflag:$0x1] =	stream.indirect.gather [hbm4b:s3+s8], $0x40, s2, s8, $0xb8;
	[tilespmem:$0xE400] =	vst v63  }
0x17: {  	s23 =	simm.s32 @!p0 $0x7  }
0x18: {  	[tilespmem:s11], [sflag:$0x2] =	stream.indirect.gather [hbm4b:s3+s10], $0x40, s8, s10, $0xb8;
	[tilespmem:$0xE400] =	vst v63  }
0x19: {  	s24 =	simm.s32 $0x0;
	_ =	swait.ge @!p0 [sflag:s23], $0x2000  }
0x1a: {  	s24 =	simm.s32 @p1 $0x0;
	[sflag:s23] =	ssyncset.done @!p0 $0x0  }
0x1b: {  	s1 =	sadd.s32 $0xC8, s24;
	[sflag:s23] =	ssyncadd.s32 @!p0 $0xFFFFE000  }
0x1c: {  	[tilespmem:s12], [sflag:$0x3] =	stream.indirect.gather [hbm4b:s3+s8], $0x40, s1, s8, $0xb8;
	[tilespmem:$0xE400] =	vst v63  }
0x1d: {  	_ =	swait.ge [sflag:s13], $0x2000  }
0x1e: {  	s25 =	rddreg [dreg:$0x3];
	[sflag:s13] =	ssyncset.done $0x0  }
0x1f: {  	[sflag:s13] =	ssyncadd.s32 $0xFFFFE000;
	s23 =	sadd.s32 $0x0, s25;
	s25 =	simm.s32 @!p0 $0x8  }
0x20: {  	[hbm4b:s23+s2] =	stream.linear.scatter [tilespmem:s9], [sflag:$0x5], $0x2000, $0x38;
	[tilespmem:$0xE400] =	vst v63  }
0x21: {  	_ =	swait.ge @!p0 [sflag:s25], $0x1200  }
0x22: {  	[sflag:s25] =	ssyncset.done @!p0 $0x0  }
0x23: {  	s24 =	sadd.s32 $0x148, s24;
	[sflag:s25] =	ssyncadd.s32 @!p0 $0xFFFFEE00  }
0x24: {  	[tilespmem:s14], [sflag:$0x4] =	stream.indirect.gather [hbm4b:s3+s10], $0x40, s24, s10, $0xb8;
	[tilespmem:$0xE400] =	vst v63  }
0x25: {  	_ =	swait.ge [sflag:s15], $0x1200  }
0x26: {  	[sflag:s15] =	ssyncset.done $0x0  }
0x27: {  	s26 =	sadd.s32 $0x0, s6;
	[sflag:s15] =	ssyncadd.s32 $0xFFFFEE00  }
0x28: {  	[hbm4b:s26+s2] =	stream.linear.scatter [tilespmem:s11], [sflag:$0x6], $0x1200, $0x38;
	[tilespmem:$0xE400] =	vst v63  }
0x29: {  	p0 =	por $0x0, $0x0;
	_ =	swait.ge [sflag:s16], $0x2000  }
0x2a: {  	s24 =	simm.s32 @!p0 $0x190;
	[sflag:s16] =	ssyncset.done $0x0  }
0x2b: {  	s25 =	simm.s32 @!p0 $0x80;
	s26 =	simm.s32 @!p0 $0x6400;
	[sflag:s16] =	ssyncadd.s32 $0xFFFFE000  }
0x2c: {  	[tilespmem:s26], [sflag:$0x1] =	stream.indirect.gather @!p0 [hbm4b:s3+s25], $0x40, s24, s25, $0xb8;
	[tilespmem:$0xE400] =	vst v63  }
0x2d: {  	_ =	swait.ge [sflag:s17], $0x2000  }
0x2e: {  	[sflag:s17] =	ssyncset.done $0x0  }
0x2f: {  	s23 =	sadd.s32 $0x640, s23;
	[sflag:s17] =	ssyncadd.s32 $0xFFFFE000  }
0x30: {  	[hbm4b:s23+s2] =	stream.linear.scatter [tilespmem:s12], [sflag:$0x7], $0x2000, $0x38;
	[tilespmem:$0xE400] =	vst v63  }
0x31: {  	s29 =	simm.s32 $0x0;
	_ =	swait.ge [sflag:s18], $0x1200  }
0x32: {  	s28 =	simm.s32 @!p0 $0x48;
	s24 =	simm.s32 $0x190;
	[sflag:s18] =	ssyncset.done $0x0  }
0x33: {  	s25 =	simm.s32 @!p0 $0x8400;
	s26 =	simm.s32 @!p0 $0x210;
	[sflag:s18] =	ssyncadd.s32 $0xFFFFEE00  }
0x34: {  	[tilespmem:s25], [sflag:$0x2] =	stream.indirect.gather @!p0 [hbm4b:s3+s28], $0x40, s26, s28, $0xb8;
	[tilespmem:$0xE400] =	vst v63  }
0x35: {  	s23 =	simm.s32 $0xC80;
	p0 =	por $0x0, $0x0;
	s25 =	simm.s32 $0x190  }
0x36: {  	s26 =	simm.s32 $0x1900;
	s28 =	simm.s32 $0x320;
	_ =	swait.ge [sflag:s19], $0x1200  }
0x37: {  	s25 =	simm.s32 @p0 $0x0;
	p0 =	por p0, p0;
	[sflag:s19] =	ssyncset.done $0x0  }
0x38: {  	s31 =	rddreg [dreg:$0x4];
	s30 =	simm.s32 @!p0 $0x7;
	[sflag:s19] =	ssyncadd.s32 $0xFFFFEE00  }
.LBB2_2:
0x39: {  	s31 =	sadd.s32 s29, s31  }
0x3a: {  	[hbm4b:s31+s2] =	stream.linear.scatter [tilespmem:s14], [sflag:$0x8], $0x1200, $0x38;
	[tilespmem:$0xE400] =	vst v63  }
0x3b: {  	_ =	swait.ge @!p0 [sflag:s30], $0x2000  }
0x3c: {  	[sflag:s30] =	ssyncset.done @!p0 $0x0  }
0x3d: {  	[sflag:s30] =	ssyncadd.s32 @!p0 $0xFFFFE000;
	s30 =	sadd.s32 $0xC8, s25  }
0x3e: {  	[tilespmem:s12], [sflag:$0x3] =	stream.indirect.gather [hbm4b:s3+s8], $0x40, s30, s8, $0xb8;
	[tilespmem:$0xE400] =	vst v63  }
0x3f: {  	_ =	swait.ge [sflag:s13], $0x2000  }
0x40: {  	s29 =	smov.u32 s23;
	s30 =	rddreg [dreg:$0x3];
	[sflag:s13] =	ssyncset.done $0x0  }
0x41: {  	s1 =	simm.s32 @!p0 $0x8;
	[sflag:s13] =	ssyncadd.s32 $0xFFFFE000;
	s30 =	sadd.s32 s29, s30  }
0x42: {  	[hbm4b:s30+s2] =	stream.linear.scatter [tilespmem:s9], [sflag:$0x5], $0x2000, $0x38;
	[tilespmem:$0xE400] =	vst v63  }
0x43: {  	_ =	swait.ge @!p0 [sflag:s1], $0x1200  }
0x44: {  	[sflag:s1] =	ssyncset.done @!p0 $0x0  }
0x45: {  	s0 =	sadd.s32 $0x148, s25;
	[sflag:s1] =	ssyncadd.s32 @!p0 $0xFFFFEE00  }
0x46: {  	[tilespmem:s14], [sflag:$0x4] =	stream.indirect.gather [hbm4b:s3+s10], $0x40, s0, s10, $0xb8;
	[tilespmem:$0xE400] =	vst v63  }
0x47: {  	_ =	swait.ge [sflag:s15], $0x1200  }
0x48: {  	p2 =	seq.s32 s26, $0x0;
	s31 =	smov.u32 s28;
	[sflag:s15] =	ssyncset.done $0x0  }
0x49: {  	s31 =	simm.s32 @p2 $0x0;
	s0 =	sadd.s32 s29, s6;
	[sflag:s15] =	ssyncadd.s32 $0xFFFFEE00  }
0x4a: {  	[hbm4b:s0+s2] =	stream.linear.scatter [tilespmem:s11], [sflag:$0x6], $0x1200, $0x38;
	[tilespmem:$0xE400] =	vst v63  }
0x4b: {  	p0 =	por p2, p2;
	p2 =	seq.s32 s29, $0x31380;
	_ =	swait.ge [sflag:s16], $0x2000  }
0x4c: {  	s25 =	smov.u32 s31;
	s1 =	sadd.s32 @!p2 $0x190, s24;
	[sflag:s16] =	ssyncset.done $0x0  }
0x4d: {  	s31 =	simm.s32 @!p2 $0x80;
	s0 =	simm.s32 @!p2 $0x6400;
	[sflag:s16] =	ssyncadd.s32 $0xFFFFE000  }
0x4e: {  	[tilespmem:s0], [sflag:$0x1] =	stream.indirect.gather @!p2 [hbm4b:s3+s31], $0x40, s1, s31, $0xb8;
	[tilespmem:$0xE400] =	vst v63  }
0x4f: {  	_ =	swait.ge [sflag:s17], $0x2000  }
0x50: {  	s23 =	smov.u32 s26;
	[sflag:s17] =	ssyncset.done $0x0  }
0x51: {  	s26 =	sadd.s32 $0xC80, s26;
	s1 =	sadd.s32 $0x640, s30;
	[sflag:s17] =	ssyncadd.s32 $0xFFFFE000  }
0x52: {  	[hbm4b:s1+s2] =	stream.linear.scatter [tilespmem:s12], [sflag:$0x7], $0x2000, $0x38;
	[tilespmem:$0xE400] =	vst v63  }
0x53: {  	p1 =	sne.s32 s26, $0x32000;
	_ =	swait.ge [sflag:s18], $0x1200  }
0x54: {  	s0 =	simm.s32 @!p2 $0x8400;
	s30 =	simm.s32 @!p2 $0x48;
	[sflag:s18] =	ssyncset.done $0x0  }
.Ltmp0:
0x55: {  	s1 =	sadd.s32 @!p2 $0x210, s24;
	[sflag:s18] =	ssyncadd.s32 $0xFFFFEE00;
	(pc) =	sbr.rel @p1 .LBB2_2-.Ltmp0, $4  }
0x56: {  	[tilespmem:s0], [sflag:$0x2] =	stream.indirect.gather @!p2 [hbm4b:s3+s30], $0x40, s1, s30, $0xb8;
	[tilespmem:$0xE400] =	vst v63  }
0x57: {  	_ =	swait.ge [sflag:s19], $0x1200  }
0x58: {  	s24 =	smov.u32 s28;
	s28 =	sadd.s32 $0x190, s28;
	[sflag:s19] =	ssyncset.done $0x0  }
0x59: {  	s30 =	simm.s32 @!p0 $0x7;
	s31 =	rddreg [dreg:$0x4];
	[sflag:s19] =	ssyncadd.s32 $0xFFFFEE00  }
0x5a: {  	s0 =	sadd.s32 s29, s31  }
0x5b: {  	[hbm4b:s0+s2] =	stream.linear.scatter [tilespmem:s14], [sflag:$0x8], $0x1200, $0x38;
	[tilespmem:$0xE400] =	vst v63  }
0x5c: {  	_ =	swait.ge @!p0 [sflag:s30], $0x2000  }
0x5d: {  	[sflag:s30] =	ssyncset.done @!p0 $0x0  }
0x5e: {  	s26 =	sadd.s32 $0xC8, s25;
	[sflag:s30] =	ssyncadd.s32 @!p0 $0xFFFFE000  }
0x5f: {  	[tilespmem:s12], [sflag:$0x3] =	stream.indirect.gather [hbm4b:s3+s8], $0x40, s26, s8, $0xb8;
	[tilespmem:$0xE400] =	vst v63  }
0x60: {  	_ =	swait.ge [sflag:s13], $0x2000  }
0x61: {  	s28 =	rddreg [dreg:$0x3];
	[sflag:s13] =	ssyncset.done $0x0  }
0x62: {  	s1 =	simm.s32 @!p0 $0x8;
	[sflag:s13] =	ssyncadd.s32 $0xFFFFE000;
	s0 =	sadd.s32 s23, s28  }
0x63: {  	[hbm4b:s0+s2] =	stream.linear.scatter [tilespmem:s9], [sflag:$0x5], $0x2000, $0x38;
	[tilespmem:$0xE400] =	vst v63  }
0x64: {  	_ =	swait.ge @!p0 [sflag:s1], $0x1200  }
0x65: {  	[sflag:s1] =	ssyncset.done @!p0 $0x0  }
0x66: {  	s29 =	sadd.s32 $0x148, s25;
	[sflag:s1] =	ssyncadd.s32 @!p0 $0xFFFFEE00  }
0x67: {  	[tilespmem:s14], [sflag:$0x4] =	stream.indirect.gather [hbm4b:s3+s10], $0x40, s29, s10, $0xb8;
	[tilespmem:$0xE400] =	vst v63  }
0x68: {  	_ =	swait.ge [sflag:s15], $0x1200  }
0x69: {  	[sflag:s15] =	ssyncset.done $0x0  }
0x6a: {  	s30 =	sadd.s32 s23, s6;
	[sflag:s15] =	ssyncadd.s32 $0xFFFFEE00  }
0x6b: {  	[hbm4b:s30+s2] =	stream.linear.scatter [tilespmem:s11], [sflag:$0x6], $0x1200, $0x38;
	[tilespmem:$0xE400] =	vst v63  }
0x6c: {  	p0 =	seq.s32 s23, $0x31380;
	_ =	swait.ge [sflag:s16], $0x2000  }
0x6d: {  	s1 =	sadd.s32 @!p0 $0x190, s24;
	[sflag:s16] =	ssyncset.done $0x0  }
0x6e: {  	s25 =	simm.s32 @!p0 $0x80;
	s26 =	simm.s32 @!p0 $0x6400;
	[sflag:s16] =	ssyncadd.s32 $0xFFFFE000  }
0x6f: {  	[tilespmem:s26], [sflag:$0x1] =	stream.indirect.gather @!p0 [hbm4b:s3+s25], $0x40, s1, s25, $0xb8;
	[tilespmem:$0xE400] =	vst v63  }
0x70: {  	_ =	swait.ge [sflag:s17], $0x2000  }
0x71: {  	[sflag:s17] =	ssyncset.done $0x0  }
0x72: {  	s0 =	sadd.s32 $0x640, s0;
	[sflag:s17] =	ssyncadd.s32 $0xFFFFE000  }
0x73: {  	[hbm4b:s0+s2] =	stream.linear.scatter [tilespmem:s12], [sflag:$0x7], $0x2000, $0x38;
	[tilespmem:$0xE400] =	vst v63  }
0x74: {  	_ =	swait.ge [sflag:s18], $0x1200  }
0x75: {  	s1 =	sadd.s32 @!p0 $0x210, s24;
	[sflag:s18] =	ssyncset.done $0x0  }
0x76: {  	s24 =	simm.s32 @!p0 $0x48;
	s0 =	simm.s32 @!p0 $0x8400;
	[sflag:s18] =	ssyncadd.s32 $0xFFFFEE00  }
0x77: {  	[tilespmem:s0], [sflag:$0x2] =	stream.indirect.gather @!p0 [hbm4b:s3+s24], $0x40, s1, s24, $0xb8;
	[tilespmem:$0xE400] =	vst v63  }
0x78: {  	_ =	swait.ge [sflag:s19], $0x1200  }
0x79: {  	s31 =	rddreg [dreg:$0x4];
	[sflag:s19] =	ssyncset.done $0x0  }
0x7a: {  	s22 =	sadd.s32 $0x1, s22;
	[sflag:s19] =	ssyncadd.s32 $0xFFFFEE00;
	s0 =	sadd.s32 s23, s31  }
0x7b: {  	[hbm4b:s0+s2] =	stream.linear.scatter [tilespmem:s14], [sflag:$0x8], $0x1200, $0x38;
	[tilespmem:$0xE400] =	vst v63  }
0x7c: {  	p0 =	sne.s32 s22, s5;
	_ =	swait.ge [sflag:s20], $0x2000  }
.Ltmp1:
0x7d: {  	[sflag:s20] =	ssyncset.done $0x0;
	(pc) =	sbr.rel @p0 .LBB2_1-.Ltmp1, $4  }
0x7e: {  	[sflag:s20] =	ssyncadd.s32 $0xFFFFE000  }
0x7f: {  	_ =	swait.ge [sflag:s21], $0x1200  }
0x80: {  	[sflag:s21] =	ssyncset.done $0x0  }
0x81: {  	[sflag:s21] =	ssyncadd.s32 $0xFFFFEE00  }
0x82: {  	_ =	sfence.sel $0x180000  }
0x83: {  	[bflag:$0x0] =	sbarrier.arrive $0xFFFF  }
0x84: {  	_ =	strace $0x90000047  }
0x85: {  	s0 =	stileid.u32;
	[bflag:$0x2] =	sbarrier.arrive $0xFFFF  }
0x86: {  	p0 =	sne.s32 s0, $0x0;
	s0 =	rddreg [dreg:$0x2]  }
0x87: {  	s0 =	sadd.s32 @!p0 $0x100000, s0  }
0x88: {  	[sflag:s0] =	ssyncadd.tile.s32 @!p0 $0x1;
	_ =	shalt  }
.Lfunc_end2:
_tile_overlayer_lowered:
.L_overlay_start_2:
0x89: {  	(tag) =	ssettag $0x2  }
0x8a: {  	s0 =	rddreg [dreg:$0x0];
	s2 =	stileid.u32  }
0x8b: {  	s1 =	rddreg [dreg:$0x1];
	p0 =	sne.s32 s2, $0x0  }
0x8c: {  	s3 =	rddreg [dreg:$0x2];
	[bflag:$0x3] =	sbarrier.arrive $0xFFFF;
	s2 =	simm.s32 @!p0 $0x1C09  }
0x8d: {  	[timem:s3], [sflag:s2] =	dma.local @!p0 [hbm:s0], s1  }
0x8e: {  	s0 =	simm.s32 @!p0 $0x9  }
0x8f: {  	_ =	swait.ge @!p0 [sflag:s0], s1  }
0x90: {  	s1 =	ssub.s32 @!p0 $0x0, s1;
	[sflag:s0] =	ssyncset.done @!p0 $0x0  }
0x91: {  	[sflag:s0] =	ssyncadd.s32 @!p0 s1  }
0x92: {  	[bflag:$0x3] =	sbarrier.arrive $0xFFFF  }
0x93: {  	_ =	shalt  }

// kernel: sparse-core-data-format-call.cloned.1.call-start
scs
called_computation_lowered:
.L_overlay_start_0:
0x0: {  	s2 =	sld [smem:$0x3FD9]  }
0x1: {  	s3 =	sld [smem:$0x3FFE];
	_ =	sdelay $0x1  }
0x2: {  	s1 =	srdreg.scid  }
0x3: {  	s0 =	sand.u32 $0x1, s1  }
0x4: {  	s18 =	sshll.u32 s0, $0xA;
	s2 =	sadd.s32 s3, s2  }
0x5: {  	s2 =	sadd.s32 s2, s18  }
0x6: {  	[smem:$0x3FC6] =	sst s2  }
0x7: {  	_ = 	snop  }
0x8: {  	s2 =	sld [smem:$0x3FD0];
	(tm) =	ssettm $0x1  }
0x9: {  	s19 =	sld [smem:$0x3FFB];
	_ =	sdelay $0x3  }
0xa: {  	_ =	strace s19  }
0xb: {  	s3 =	sld [smem:$0x3FFC];
	_ =	sdelay $0x3  }
0xc: {  	_ =	strace s3  }
0xd: {  	s3 =	sld [smem:$0x3FFD];
	_ =	sdelay $0x3  }
0xe: {  	_ =	strace s3  }
0xf: {  	_ =	strace $0x8FFFFFFF  }
0x10: {  	s20 =	sld [smem:$0x3FDB];
	_ =	sdelay $0x1  }
0x11: {  	s4 =	simm.s32 $_scs_section_size  }
0x12: {  	s5 =	simm.s32 $_size__tile_overlayer_lowered;
	s6 =	simm.s32 $_tile_overlayer_lowered  }
0x13: {  	s23 =	simm.s32 $0x1BFF;
	s22 =	sshll.u32 s6, $0x1;
	s3 =	sadd.s32 s4, s20  }
0x14: {  	s7 =	simm.s32 $0x0;
	s21 =	sshll.u32 s5, $0x1;
	s5 =	sadd.s32 s22, s3  }
0x15: {  	[timem:s7], [sflag:s23] =	dma.local [hbm:s5], s21  }
0x16: {  	_ =	swait.ge [sflag:s23], s21  }
0x17: {  	s4 =	ssub.s32 $0x0, s21;
	[sflag:s23] =	ssyncset.done $0x0  }
0x18: {  	[sflag:s23] =	ssyncadd.s32 s4;
	_ =	sdelay $0x1  }
0x19: {  	s24 =	simm.s32 $0x1B8B  }
0x1a: {  	_ =	swait.ge [sflag:s24], $0x1  }
0x1b: {  	[sflag:s24] =	ssyncset.done $0x0  }
0x1c: {  	s26 =	simm.s32 $0x1B8E;
	s25 =	sld [smem:$0x3FFE];
	[sflag:s24] =	ssyncadd.s32 $0xFFFFFFFF  }
0x1d: {  	s27 =	simm.s32 $execute0_lowered;
	[smem:$0x3FD2] =	sst s26  }
0x1e: {  	s5 =	sshll.u32 s27, $0x1;
	_ =	strace $0x80000049;
	[dreg:$0x1] =	wrdreg $0xFFFFFFFF  }
0x1f: {  	s28 =	simm.s32 $_size_execute0_lowered;
	s3 =	sadd.s32 s3, s5;
	[dreg:$0x0] =	wrdreg $0x0  }
0x20: {  	s5 =	sshll.u32 s28, $0x1;
	[dreg:$0x2] =	wrdreg s3  }
0x21: {  	[dreg:$0x3] =	wrdreg s5  }
0x22: {  	[dreg:$0x4] =	wrdreg $0xC0  }
0x23: {  	_ =	task [dreg:s7], $0x5FFFF  }
0x24: {  	[dreg:$0x1] =	wrdreg $0xFFFFFFFF  }
0x25: {  	[dreg:$0x0] =	wrdreg $0x60  }
0x26: {  	[dreg:$0x2] =	wrdreg s25  }
0x27: {  	[dreg:$0x3] =	wrdreg s2  }
0x28: {  	[dreg:$0x4] =	wrdreg $0x9  }
0x29: {  	_ =	task.clear_ibuf [dreg:s7], $0x5FFFF;
	_ =	strace $0x90000049  }
0x2a: {  	s29 =	simm.s32 $0x9;
	_ =	strace $0x8000004B  }
0x2b: {  	_ =	swait.ge [sflag:s29], $0x1  }
0x2c: {  	[sflag:s29] =	ssyncadd.s32 $0xFFFFFFFF  }
0x2d: {  	_ =	strace $0x9000004B  }
0x2e: {  	_ =	sfence  }
0x2f: {  	s30 =	sld [smem:$0x0];
	_ =	sdelay $0x2  }
0x30: {  	s31 =	sshll.u32 s1, $0xD;
	s1 =	sshrl.u32 s1, $0x2  }
0x31: {  	s3 =	sand.u32 $0x4000, s31;
	s1 =	sadd.s32 s1, s30  }
0x32: {  	s0 =	sor.u32 s3, s0;
	s1 =	sshll.u32 s1, $0x11  }
0x33: {  	s0 =	sor.u32 s1, s0  }
0x34: {  	s0 =	sadd.s32 $0x8F2B, s0  }
0x35: {  	[sflag:s0] =	ssyncadd.remote.s32 $0x1  }
0x36: {  	_ =	sfence.sel $0xFFFF  }
0x37: {  	[dreg:$0x0] =	wrdreg $0xFFFFFFFF;
	(pc) =	sbr.abs _section_cstart, $3  }
0x38: {  	[dreg:$0x1] =	wrdreg $0xFFFFFFFF  }
0x39: {  	_ =	task.clear_ibuf [dreg:s7], $0x2FFFF;
	_ =	strace $0x9FFFFFFF  }
0x3a: {  	(tm) =	ssettm $0x7FFFFFFF  }
0x3b: {  	_ =	shalt  }
tec
execute0_lowered:
.L_overlay_start_1:
0x0: {  	(tag) =	ssettag $0x1  }
0x1: {  	s0 =	srdreg.scid  }
0x2: {  	s1 =	sshll.u32 s0, $0x4  }
0x3: {  	s0 =	stileid.u32;
	s1 =	sand.u32 $0x10, s1  }
0x4: {  	s1 =	sor.u32 s0, s1  }
0x5: {  	s6 =	rddreg [dreg:$0x0];
	s4 =	simm.s32 $0x1;
	s2 =	sshll.u32 s1, $0x7  }
0x6: {  	s7 =	simm.s32 $0x2;
	s12 =	simm.s32 $0x0;
	s1 =	ssub.s32 $0x1000, s2  }
0x7: {  	s8 =	simm.s32 $0x8000;
	s13 =	simm.s32 $0x0;
	s3 =	sand.u32 $0xF80, s1  }
0x8: {  	s9 =	simm.s32 $0x0;
	s5 =	sshrl.u32 s1, $0xC;
	p0 =	sne.s32 s3, $0x0  }
.Ltmp0:
0x9: {  	s1 =	rddreg [dreg:$0x2];
	s4 =	simm.s32 @!p0 $0x0;
	(pc) =	sbr.rel .LBB1_1-.Ltmp0, $4  }
0xa: {  	s11 =	simm.s32 $0x0;
	s3 =	rddreg [dreg:$0x1];
	s5 =	sadd.s32 s4, s5  }
0xb: {  	_ =	strace $0x8000004A;
	s4 =	simm.s32 $0x1;
	s5 =	smul.u32 $0xC8, s5  }
0xc: {  	s6 =	sadd.s32 $0xA00, s6;
	s10 =	smov.u32 s2;
	[sflag:s4] =	ssyncpa.u1 $0x0  }
0xd: {  	p0 =	por $0x0, $0x0;
	[sflag:s7] =	ssyncpa.u1 $0x0;
	s7 =	sor.u32 $0x1, s5  }
.LBB1_4:
0xe: {  	s16 =	sshll.u32 s13, $0x3;
	s17 =	sand.u32 $0x78, s13  }
0xf: {  	s30 =	sand.u32 $0x7E00, s13;
	s12 =	sshll.u32 s12, $0xF;
	s16 =	sand.u32 $0xC00, s16  }
0x10: {  	[tilespmem:s15+$0x810 ss:$0x81] =	vst.msk $0xffff, v2;
	s31 =	sand.u32 $0x7, s13;
	s16 =	sor.u32 s17, s16;
	s17 =	sadd.s32 s3, s30  }
0x11: {  	[tilespmem:s15+$0x1020 ss:$0x81] =	vst.msk $0xffff, v0;
	s13 =	sshll.u32 s31, $0x12;
	s12 =	sadd.s32 s12, s17;
	s16 =	sshrl.u32 s16, $0x3  }
0x12: {  	[tilespmem:s15+$0x0 ss:$0x81] =	vst.msk $0xffff, v1;
	s13 =	sor.u32 $0x400, s13;
	s12 =	sadd.s32 s16, s12  }
0x13: {  	[hbm4b:s12+s13] =	stream.strided.scatter [tilespmem:s14], [sflag:$0x2], $0x2000, s8, s13, $0x20;
	[tilespmem:$0x8080] =	vst v63  }
.LBB1_5:
0x14: {  	s14 =	sadd.s32 $0x1, s9  }
0x15: {  	s12 =	sadd.s32 $0x1000, s10;
	s16 =	smov.u32 s10;
	p2 =	sgt.s32 s14, $0xC7  }
0x16: {  	s16 =	smov.u32 @p2 s12  }
0x17: {  	s14 =	simm.s32 @p2 $0x0;
	p2 =	sgt.s32 s16, $0xFFF  }
0x18: {  	s16 =	smov.u32 @p2 s2;
	p2 =	sne.s32 s11, s7  }
.Ltmp1:
0x19: {  	p1 =	slt.u32 s11, $0x2;
	(pc) =	sbr.rel @!p2 .LBB1_6-.Ltmp1, $4  }
0x1a: {  	s15 =	simm.s32 @!p1 $0x2  }
0x1b: {  	s13 =	smov.u32 s10;
	p0 =	por !p0, !p0;
	_ =	swait.ge @!p1 [sflag:s15], $0x2000  }
0x1c: {  	s12 =	smov.u32 s9;
	[sflag:s15] =	ssyncset.done @!p1 $0x0;
	s9 =	smov.u32 s14  }
0x1d: {  	s11 =	sadd.s32 $0x1, s11;
	[sflag:s15] =	ssyncadd.s32 @!p1 $0xFFFFE000;
	s10 =	smov.u32 s16  }
.LBB1_1:
0x1e: {  	p1 =	sge.u32 s11, s5  }
0x1f: {  	s14 =	sand.u32 @!p1 $0x1FFFFFF, s9  }
0x20: {  	s15 =	smulhi.u32 @!p1 $0x147AE15, s14;
	_ =	sdelay $0x1  }
0x21: {  	s15 =	smul.u32 @!p1 $0xC8, s15  }
0x22: {  	s16 =	sxor.u32 @!p1 $0xFFFFFFFF, s11;
	s17 =	smul.u32 @!p1 $0xC80, s10  }
0x23: {  	s31 =	sadd.s32 $0xFFFFFFFF, s11;
	s16 =	sshll.u32 @!p1 s16, $0xD;
	s14 =	ssub.s32 @!p1 s14, s15  }
0x24: {  	s15 =	sand.u32 @!p1 $0x2000, s16;
	s16 =	sadd.s32 @!p1 s6, s17;
	s14 =	sshll.u32 @!p1 s14, $0x4  }
0x25: {  	s17 =	simm.s32 @!p1 $0x6400;
	s14 =	sadd.s32 @!p1 s14, s16;
	s16 =	simm.s32 @!p1 $0x40  }
0x26: {  	[tilespmem:s15], [sflag:$0x1] =	stream.strided.gather @!p1 [hbm4b:s14+s16], $0x2000, s17, s16, $0x38;
	[tilespmem:$0x8080] =	vst v63  }
0x27: {  	p1 =	sge.u32 s31, s5  }
.Ltmp2:
0x28: {  	_ = 	snop;
	(pc) =	sbr.rel @p1 .LBB1_5-.Ltmp2, $1  }
0x29: {  	_ =	sdelay $0x3  }
0x2a: {  	s14 =	simm.s32 $0x1  }
0x2b: {  	_ =	swait.ge [sflag:s4], $0x2000;
	s14 =	simm.s32 @!p0 $0x0  }
0x2c: {  	[sflag:s4] =	ssyncset.done $0x0;
	s15 =	sshll.u32 s14, $0xD  }
0x2d: {  	[sflag:s4] =	ssyncadd.s32 $0xFFFFE000;
	s18 =	sor.u32 $0x20, s15  }
0x2e: {  	s14 =	smul.u32 $0x8100, s14;
	v3 =	vld [tilespmem:s18+$0x10]  }
0x2f: {  	s30 =	sand.u32 $0x1, s11;
	v2 =	vld [tilespmem:s18+$0xFFFFFFF0]  }
0x30: {  	s15 =	smul.u32 $0x8100, s30;
	s14 =	sshrl.u32 s14, $0x2;
	v0 =	vld [tilespmem:s18+$0x0]  }
0x31: {  	v1 =	vld [tilespmem:s18+$0xFFFFFFE0];
	s16 =	sor.u32 $0x4000, s14  }
0x32: {  	s31 =	sshrl.u32 s15, $0x2;
	s15 =	sadd.s32 $0x0, s16  }
0x33: {  	s17 =	simm.s32 $0x4;
	s18 =	sadd.s32 $0x40, s18;
	s14 =	sor.u32 $0x4000, s31;
	[tilespmem:s15+$0x1830 ss:$0x81] =	vst.msk $0xffff, v3  }
.LBB1_3:
0x34: {  	v3 =	vld [tilespmem:s18+$0x10];
	p1 =	sne.s32 s17, $0x1FC;
	[tilespmem:s15+$0x810 ss:$0x81] =	vst.msk $0xffff, v2;
	s19 =	smov.u32 s17;
	s17 =	sadd.s32 $0x4, s17  }
.Ltmp3:
0x35: {  	v2 =	vld [tilespmem:s18+$0xFFFFFFF0];
	[tilespmem:s15+$0x1020 ss:$0x81] =	vst.msk $0xffff, v0;
	(pc) =	sbr.rel @p1 .LBB1_3-.Ltmp3, $4  }
0x36: {  	v0 =	vld [tilespmem:s18+$0x0];
	[tilespmem:s15+$0x0 ss:$0x81] =	vst.msk $0xffff, v1  }
0x37: {  	s15 =	sshra.s32 s19, $0x2;
	v1 =	vld [tilespmem:s18+$0xFFFFFFE0]  }
0x38: {  	s15 =	sadd.s32 s15, s16  }
0x39: {  	s18 =	sadd.s32 $0x40, s18;
	[tilespmem:s15+$0x1830 ss:$0x81] =	vst.msk $0xffff, v3  }
.Ltmp4:
0x3a: {  	_ = 	snop;
	(pc) =	sbr.rel .LBB1_4-.Ltmp4, $1  }
0x3b: {  	_ =	sdelay $0x3  }
.LBB1_6:
0x3c: {  	_ =	sfence.sel $0x180000  }
0x3d: {  	s2 =	simm.s32 $0x1;
	[bflag:$0x0] =	sbarrier.arrive $0xFFFF  }
0x3e: {  	s31 =	simm.s32 $0x2;
	[sflag:s2] =	ssyncpa.u1 $0x1  }
0x3f: {  	[sflag:s31] =	ssyncpa.u1 $0x1  }
0x40: {  	p0 =	sne.s32 s0, $0x0;
	_ =	strace $0x9000004A  }
0x41: {  	s0 =	sadd.s32 @!p0 $0x100000, s1;
	[bflag:$0x2] =	sbarrier.arrive $0xFFFF  }
0x42: {  	[sflag:s0] =	ssyncadd.tile.s32 @!p0 $0x1;
	_ =	shalt  }
.Lfunc_end1:
_tile_overlayer_lowered:
.L_overlay_start_2:
0x43: {  	(tag) =	ssettag $0x2  }
0x44: {  	s0 =	rddreg [dreg:$0x0];
	s2 =	stileid.u32  }
0x45: {  	s1 =	rddreg [dreg:$0x1];
	p0 =	sne.s32 s2, $0x0  }
0x46: {  	s3 =	rddreg [dreg:$0x2];
	[bflag:$0x3] =	sbarrier.arrive $0xFFFF;
	s2 =	simm.s32 @!p0 $0x1C01  }
0x47: {  	[timem:s3], [sflag:s2] =	dma.local @!p0 [hbm:s0], s1  }
0x48: {  	s0 =	simm.s32 @!p0 $0x1  }
0x49: {  	_ =	swait.ge @!p0 [sflag:s0], s1  }
0x4a: {  	s1 =	ssub.s32 @!p0 $0x0, s1;
	[sflag:s0] =	ssyncset.done @!p0 $0x0  }
0x4b: {  	[sflag:s0] =	ssyncadd.s32 @!p0 s1  }
0x4c: {  	[bflag:$0x3] =	sbarrier.arrive $0xFFFF  }
0x4d: {  	_ =	shalt  }

</sc_bundles>
